<compile_context>
chip_gen: v7x
topology: tpu7x:2x2x1
jax: 0.10.2.dev20260603
libtpu: 0.0.44.dev20260713+nightly
codegen_flags: <defaults>
</compile_context>

<pallas_src>
import functools

import jax
import jax.numpy as jnp
from jax.experimental import pallas as pl

B, H, W, K, J = 8, 256, 256, 100, 17
HW = H * W


def _sig_nms_body(x_ref, s_ref, sc_ref):
    x = x_ref[0]
    s = jax.nn.sigmoid(x)
    s_ref[0] = s
    neg = jnp.full((H, 1), -jnp.inf, x.dtype)
    mrow = jnp.maximum(x, jnp.concatenate([x[:, 1:], neg], axis=1))
    mrow = jnp.maximum(mrow, jnp.concatenate([neg, x[:, :-1]], axis=1))
    negr = jnp.full((1, W), -jnp.inf, x.dtype)
    mcol = jnp.maximum(mrow, jnp.concatenate([mrow[1:, :], negr], axis=0))
    mcol = jnp.maximum(mcol, jnp.concatenate([negr, mrow[:-1, :]], axis=0))
    keep = (mcol == x)
    sc_ref[0] = jnp.where(keep, s, 0.0)


def _sig_nms(x):
    b, c = x.shape[0], x.shape[1]
    xf = x.reshape(b * c, H, W)
    out = pl.pallas_call(
        _sig_nms_body,
        grid=(b * c,),
        in_specs=[pl.BlockSpec((1, H, W), lambda i: (i, 0, 0))],
        out_specs=[pl.BlockSpec((1, H, W), lambda i: (i, 0, 0))] * 2,
        out_shape=[jax.ShapeDtypeStruct((b * c, H, W), x.dtype)] * 2,
    )(xf)
    return out[0].reshape(x.shape), out[1].reshape(x.shape)


def _gather_feat(feat, ind):
    b, k = ind.shape
    c = feat.shape[2]
    idx = jnp.broadcast_to(ind[:, :, None], (b, k, c))
    return jnp.take_along_axis(feat, idx, axis=1)


def _transpose_gather(feat, ind):
    b, c, h, w = feat.shape
    feat = jnp.transpose(feat, (0, 2, 3, 1)).reshape(b, h * w, c)
    return _gather_feat(feat, ind)


def kernel(hm, wh, hps, reg, hm_hp, hp_offset):
    hm_s, hm_score_map = _sig_nms(hm)
    hm_hp_s, hp_score_map = _sig_nms(hm_hp)

    b = B
    heat = hm_score_map
    topk_scores, topk_inds = jax.lax.top_k(heat.reshape(b, 1, -1), K)
    topk_inds = topk_inds % (H * W)
    topk_ys = (topk_inds // W).astype(jnp.float32)
    topk_xs = (topk_inds % W).astype(jnp.float32)
    topk_score, topk_ind = jax.lax.top_k(topk_scores.reshape(b, -1), K)
    clses = (topk_ind // K).astype(jnp.float32)
    inds = _gather_feat(topk_inds.reshape(b, -1, 1), topk_ind).reshape(b, K)
    ys = _gather_feat(topk_ys.reshape(b, -1, 1), topk_ind).reshape(b, K)
    xs = _gather_feat(topk_xs.reshape(b, -1, 1), topk_ind).reshape(b, K)
    scores = topk_score
    kps = _transpose_gather(hps, inds)
    kps = kps.at[..., 0::2].add(xs[:, :, None])
    kps = kps.at[..., 1::2].add(ys[:, :, None])
    regg = _transpose_gather(reg, inds)
    xs2 = xs[:, :, None] + regg[:, :, 0:1]
    ys2 = ys[:, :, None] + regg[:, :, 1:2]
    whg = _transpose_gather(wh, inds)
    scores2 = scores[:, :, None]
    clses2 = clses[:, :, None]
    bboxes = jnp.concatenate([
        xs2 - whg[..., 0:1] / 2, ys2 - whg[..., 1:2] / 2,
        xs2 + whg[..., 0:1] / 2, ys2 + whg[..., 1:2] / 2], axis=2)
    thresh = 0.1
    kps = jnp.transpose(kps.reshape(b, K, J, 2), (0, 2, 1, 3))
    reg_kps = jnp.broadcast_to(kps[:, :, :, None, :], (b, J, K, K, 2))
    hm_score, hm_inds = jax.lax.top_k(hp_score_map.reshape(b, J, -1), K)
    hm_inds = hm_inds % (H * W)
    hm_ys = (hm_inds // W).astype(jnp.float32)
    hm_xs = (hm_inds % W).astype(jnp.float32)
    hp_off = _transpose_gather(hp_offset, hm_inds.reshape(b, -1)).reshape(b, J, K, 2)
    hm_xs = hm_xs + hp_off[..., 0]
    hm_ys = hm_ys + hp_off[..., 1]
    mask = (hm_score > thresh).astype(jnp.float32)
    hm_score = (1 - mask) * -1 + mask * hm_score
    hm_ys = (1 - mask) * -10000 + mask * hm_ys
    hm_xs = (1 - mask) * -10000 + mask * hm_xs
    hm_kps = jnp.stack([hm_xs, hm_ys], axis=-1)[:, :, None, :, :]
    hm_kps = jnp.broadcast_to(hm_kps, (b, J, K, K, 2))
    dist = jnp.sqrt(((reg_kps - hm_kps) ** 2).sum(axis=4))
    min_dist = jnp.min(dist, axis=3)
    min_ind = jnp.argmin(dist, axis=3)
    hm_score = jnp.take_along_axis(hm_score, min_ind, axis=2)[..., None]
    min_dist_e = min_dist[..., None]
    gidx = jnp.broadcast_to(min_ind[:, :, :, None, None], (b, J, K, 1, 2))
    hm_kps = jnp.take_along_axis(hm_kps, gidx, axis=3).reshape(b, J, K, 2)
    l = jnp.broadcast_to(bboxes[:, :, 0].reshape(b, 1, K, 1), (b, J, K, 1))
    t = jnp.broadcast_to(bboxes[:, :, 1].reshape(b, 1, K, 1), (b, J, K, 1))
    r = jnp.broadcast_to(bboxes[:, :, 2].reshape(b, 1, K, 1), (b, J, K, 1))
    bo = jnp.broadcast_to(bboxes[:, :, 3].reshape(b, 1, K, 1), (b, J, K, 1))
    mask2 = ((hm_kps[..., 0:1] < l) | (hm_kps[..., 0:1] > r) |
             (hm_kps[..., 1:2] < t) | (hm_kps[..., 1:2] > bo) |
             (hm_score < thresh) | (min_dist_e > jnp.maximum(bo - t, r - l) * 0.3))
    mask2 = jnp.broadcast_to(mask2.astype(jnp.float32), (b, J, K, 2))
    kps = (1 - mask2) * hm_kps + mask2 * kps
    kps = jnp.transpose(kps, (0, 2, 1, 3)).reshape(b, K, J * 2)
    det = jnp.concatenate([bboxes, scores2, kps, clses2], axis=2)
    return (hm_s, wh, hps, reg, hm_hp_s, hp_offset, det)

# --- scband reference (transcript-rebuilt; emitter-appended) ---
"""Pipeline reference for scband-post-process-36756330119453 (READ-ONLY COPY).

The authoritative reference and input builder live on the scoring server;
editing this copy changes nothing except your own understanding.
"""

import jax, jax.numpy as jnp
import numpy as np

B, H, W, K, J = 8, 256, 256, 100, 17

def _maxpool3(x):
    return jax.lax.reduce_window(x, -jnp.inf, jax.lax.max, (1, 1, 3, 3), (1, 1, 1, 1), 'SAME')

def _nms(heat):
    hmax = _maxpool3(heat)
    keep = (hmax == heat).astype(heat.dtype)
    return heat * keep

def _gather_feat(feat, ind):
    # feat [B,N,C], ind [B,K]
    b, k = ind.shape
    c = feat.shape[2]
    idx = jnp.broadcast_to(ind[:, :, None], (b, k, c))
    return jnp.take_along_axis(feat, idx, axis=1)

def _transpose_gather(feat, ind):
    b, c, h, w = feat.shape
    feat = jnp.transpose(feat, (0, 2, 3, 1)).reshape(b, h * w, c)
    return _gather_feat(feat, ind)

def setup_inputs(seed: int = 0):
    key = jax.random.key(seed)
    ks = jax.random.split(key, 6)
    return {
        'hm': jax.random.normal(ks[0], (B, 1, H, W), jnp.float32),
        'wh': jax.random.normal(ks[1], (B, 2, H, W), jnp.float32),
        'hps': jax.random.normal(ks[2], (B, 34, H, W), jnp.float32),
        'reg': jax.random.normal(ks[3], (B, 2, H, W), jnp.float32),
        'hm_hp': jax.random.normal(ks[4], (B, 17, H, W), jnp.float32),
        'hp_offset': jax.random.normal(ks[5], (B, 2, H, W), jnp.float32),
    }

def _decode(heat, wh, kps, reg, hm_hp, hp_offset):
    b = B
    heat = _nms(heat)
    topk_scores, topk_inds = jax.lax.top_k(heat.reshape(b, 1, -1), K)
    topk_inds = topk_inds % (H * W)
    topk_ys = (topk_inds // W).astype(jnp.float32)
    topk_xs = (topk_inds % W).astype(jnp.float32)
    topk_score, topk_ind = jax.lax.top_k(topk_scores.reshape(b, -1), K)
    clses = (topk_ind // K).astype(jnp.float32)
    inds = _gather_feat(topk_inds.reshape(b, -1, 1), topk_ind).reshape(b, K)
    ys = _gather_feat(topk_ys.reshape(b, -1, 1), topk_ind).reshape(b, K)
    xs = _gather_feat(topk_xs.reshape(b, -1, 1), topk_ind).reshape(b, K)
    scores = topk_score
    kps = _transpose_gather(kps, inds)  # [b,K,34]
    kps = kps.at[..., 0::2].add(xs[:, :, None])
    kps = kps.at[..., 1::2].add(ys[:, :, None])
    reg = _transpose_gather(reg, inds)
    xs2 = xs[:, :, None] + reg[:, :, 0:1]
    ys2 = ys[:, :, None] + reg[:, :, 1:2]
    wh = _transpose_gather(wh, inds)
    scores2 = scores[:, :, None]
    clses2 = clses[:, :, None]
    bboxes = jnp.concatenate([
        xs2 - wh[..., 0:1] / 2, ys2 - wh[..., 1:2] / 2,
        xs2 + wh[..., 0:1] / 2, ys2 + wh[..., 1:2] / 2], axis=2)
    hm_hp = _nms(hm_hp)
    thresh = 0.1
    kps = jnp.transpose(kps.reshape(b, K, J, 2), (0, 2, 1, 3))  # [b,J,K,2]
    reg_kps = jnp.broadcast_to(kps[:, :, :, None, :], (b, J, K, K, 2))
    hm_score, hm_inds = jax.lax.top_k(hm_hp.reshape(b, J, -1), K)
    hm_inds = hm_inds % (H * W)
    hm_ys = (hm_inds // W).astype(jnp.float32)
    hm_xs = (hm_inds % W).astype(jnp.float32)
    hp_off = _transpose_gather(hp_offset, hm_inds.reshape(b, -1)).reshape(b, J, K, 2)
    hm_xs = hm_xs + hp_off[..., 0]
    hm_ys = hm_ys + hp_off[..., 1]
    mask = (hm_score > thresh).astype(jnp.float32)
    hm_score = (1 - mask) * -1 + mask * hm_score
    hm_ys = (1 - mask) * -10000 + mask * hm_ys
    hm_xs = (1 - mask) * -10000 + mask * hm_xs
    hm_kps = jnp.stack([hm_xs, hm_ys], axis=-1)[:, :, None, :, :]
    hm_kps = jnp.broadcast_to(hm_kps, (b, J, K, K, 2))
    dist = jnp.sqrt(((reg_kps - hm_kps) ** 2).sum(axis=4))
    min_dist = jnp.min(dist, axis=3)
    min_ind = jnp.argmin(dist, axis=3)
    hm_score = jnp.take_along_axis(hm_score, min_ind, axis=2)[..., None]
    min_dist_e = min_dist[..., None]
    gidx = jnp.broadcast_to(min_ind[:, :, :, None, None], (b, J, K, 1, 2))
    hm_kps = jnp.take_along_axis(hm_kps, gidx, axis=3).reshape(b, J, K, 2)
    l = jnp.broadcast_to(bboxes[:, :, 0].reshape(b, 1, K, 1), (b, J, K, 1))
    t = jnp.broadcast_to(bboxes[:, :, 1].reshape(b, 1, K, 1), (b, J, K, 1))
    r = jnp.broadcast_to(bboxes[:, :, 2].reshape(b, 1, K, 1), (b, J, K, 1))
    bo = jnp.broadcast_to(bboxes[:, :, 3].reshape(b, 1, K, 1), (b, J, K, 1))
    mask2 = ((hm_kps[..., 0:1] < l) | (hm_kps[..., 0:1] > r) |
             (hm_kps[..., 1:2] < t) | (hm_kps[..., 1:2] > bo) |
             (hm_score < thresh) | (min_dist_e > jnp.maximum(bo - t, r - l) * 0.3))
    mask2 = jnp.broadcast_to(mask2.astype(jnp.float32), (b, J, K, 2))
    kps = (1 - mask2) * hm_kps + mask2 * kps
    kps = jnp.transpose(kps, (0, 2, 1, 3)).reshape(b, K, J * 2)
    detections = jnp.concatenate([bboxes, scores2, kps, clses2], axis=2)
    return detections

def reference(hm, wh, hps, reg, hm_hp, hp_offset):
    hm_s = jax.nn.sigmoid(hm)
    hm_hp_s = jax.nn.sigmoid(hm_hp)
    det = _decode(hm_s, wh, hps, reg, hm_hp_s, hp_offset)
    return (hm_s, wh, hps, reg, hm_hp_s, hp_offset, det)

if __name__ == "__main__":
    import jax
    _d = setup_inputs()
    print(jax.jit(kernel)(*tuple(_d.values())))

</pallas_src>

<mosaic_0001>
module attributes {stable_mosaic.version = 14 : i64} {
  func.func @_sig_nms_body(%arg0: i32, %arg1: memref<1x256x256xf32, #tpu.memory_space<vmem>>, %arg2: memref<1x256x256xf32, #tpu.memory_space<vmem>>, %arg3: memref<1x256x256xf32, #tpu.memory_space<vmem>>) attributes {dimension_semantics = [#tpu.dimension_semantics<arbitrary>], iteration_bounds = array<i64: 8>, scalar_prefetch = 0 : i64, scratch_operands = 0 : i64, tpu.core_type = #tpu.core_type<tc>, window_params = [{transform_indices = @transform_0, window_bounds = array<i64: 1, 256, 256>}, {transform_indices = @transform_1, window_bounds = array<i64: 1, 256, 256>}, {transform_indices = @transform_2, window_bounds = array<i64: 1, 256, 256>}]} {
    %get3A = arith.constant 0 : index
    %get3A_0 = arith.constant 0 : index
    %get3A_1 = arith.constant 0 : index
    %get3A_2 = vector.load %arg1[%get3A, %get3A_0, %get3A_1] : memref<1x256x256xf32, #tpu.memory_space<vmem>>, vector<1x256x256xf32>
    %get3A_3 = vector.shape_cast %get3A_2 : vector<1x256x256xf32> to vector<256x256xf32>
    %logistic3A = arith.negf %get3A_3 : vector<256x256xf32>
    %logistic3A_4 = math.exp %logistic3A : vector<256x256xf32>
    %logistic3A_5 = arith.constant 1.000000e+00 : f32
    %logistic3A_6 = vector.broadcast %logistic3A_5 : f32 to vector<256x256xf32>
    %logistic3A_7 = arith.addf %logistic3A_6, %logistic3A_4 : vector<256x256xf32>
    %logistic3A_8 = arith.divf %logistic3A_6, %logistic3A_7 : vector<256x256xf32>
    %swap3A = arith.constant 0 : index
    %swap3A_9 = arith.constant 0 : index
    %swap3A_10 = arith.constant 0 : index
    %swap3A_11 = vector.load %arg2[%swap3A, %swap3A_9, %swap3A_10] : memref<1x256x256xf32, #tpu.memory_space<vmem>>, vector<1x256x256xf32>
    %swap3A_12 = vector.shape_cast %swap3A_11 : vector<1x256x256xf32> to vector<256x256xf32>
    %swap3A_13 = vector.shape_cast %logistic3A_8 : vector<256x256xf32> to vector<1x256x256xf32>
    tpu.vector_store %arg2[%swap3A, %swap3A_9, %swap3A_10], %swap3A_13 {strides = array<i32>} : memref<1x256x256xf32, #tpu.memory_space<vmem>>, vector<1x256x256xf32>,
    %broadcast_in_dim3A = arith.constant 0xFF800000 : f32
    %broadcast_in_dim3A_14 = vector.broadcast %broadcast_in_dim3A : f32 to vector<256x1xf32>
    %slice3A = vector.extract_strided_slice %get3A_3 {offsets = [0, 1], sizes = [256, 255], strides = [1, 1]} : vector<256x256xf32> to vector<256x255xf32>
    %concatenate3A = tpu.concatenate %slice3A, %broadcast_in_dim3A_14 in 1 : vector<256x255xf32>, vector<256x1xf32> -> vector<256x256xf32>
    %max3A = arith.maximumf %get3A_3, %concatenate3A : vector<256x256xf32>
    %slice3A_15 = vector.extract_strided_slice %get3A_3 {offsets = [0, 0], sizes = [256, 255], strides = [1, 1]} : vector<256x256xf32> to vector<256x255xf32>
    %concatenate3A_16 = tpu.concatenate %broadcast_in_dim3A_14, %slice3A_15 in 1 : vector<256x1xf32>, vector<256x255xf32> -> vector<256x256xf32>
    %max3A_17 = arith.maximumf %max3A, %concatenate3A_16 : vector<256x256xf32>
    %broadcast_in_dim3A_18 = arith.constant 0xFF800000 : f32
    %broadcast_in_dim3A_19 = vector.broadcast %broadcast_in_dim3A_18 : f32 to vector<1x256xf32>
    %slice3A_20 = vector.extract_strided_slice %max3A_17 {offsets = [1, 0], sizes = [255, 256], strides = [1, 1]} : vector<256x256xf32> to vector<255x256xf32>
    %concatenate3A_21 = tpu.concatenate %slice3A_20, %broadcast_in_dim3A_19 in 0 : vector<255x256xf32>, vector<1x256xf32> -> vector<256x256xf32>
    %max3A_22 = arith.maximumf %max3A_17, %concatenate3A_21 : vector<256x256xf32>
    %slice3A_23 = vector.extract_strided_slice %max3A_17 {offsets = [0, 0], sizes = [255, 256], strides = [1, 1]} : vector<256x256xf32> to vector<255x256xf32>
    %concatenate3A_24 = tpu.concatenate %broadcast_in_dim3A_19, %slice3A_23 in 0 : vector<1x256xf32>, vector<255x256xf32> -> vector<256x256xf32>
    %max3A_25 = arith.maximumf %max3A_22, %concatenate3A_24 : vector<256x256xf32>
    %eq3A = arith.cmpf oeq, %max3A_25, %get3A_3 : vector<256x256xf32>
    %jit3A = arith.constant 0.000000e+00 : f32
    %broadcast_in_dim3A_26 = vector.broadcast %jit3A : f32 to vector<256x256xf32>
    %select_n3A = arith.select %eq3A, %logistic3A_8, %broadcast_in_dim3A_26 : vector<256x256xi1>, vector<256x256xf32>
    %swap3A_27 = arith.constant 0 : index
    %swap3A_28 = arith.constant 0 : index
    %swap3A_29 = arith.constant 0 : index
    %swap3A_30 = vector.load %arg3[%swap3A_27, %swap3A_28, %swap3A_29] : memref<1x256x256xf32, #tpu.memory_space<vmem>>, vector<1x256x256xf32>
    %swap3A_31 = vector.shape_cast %swap3A_30 : vector<1x256x256xf32> to vector<256x256xf32>
    %swap3A_32 = vector.shape_cast %select_n3A : vector<256x256xf32> to vector<1x256x256xf32>
    tpu.vector_store %arg3[%swap3A_27, %swap3A_28, %swap3A_29], %swap3A_32 {strides = array<i32>} : memref<1x256x256xf32, #tpu.memory_space<vmem>>, vector<1x256x256xf32>,
    return
  }
  func.func @transform_0(%arg0: i32) -> (i32, i32, i32) {
    %c0_i32 = arith.constant 0 : i32
    %c0_i32_0 = arith.constant 0 : i32
    %c0_i32_1 = arith.constant 0 : i32
    return %arg0, %c0_i32, %c0_i32_0 : i32, i32, i32
  }
  func.func @transform_1(%arg0: i32) -> (i32, i32, i32) {
    %c0_i32 = arith.constant 0 : i32
    %c0_i32_0 = arith.constant 0 : i32
    %c0_i32_1 = arith.constant 0 : i32
    return %arg0, %c0_i32, %c0_i32_0 : i32, i32, i32
  }
  func.func @transform_2(%arg0: i32) -> (i32, i32, i32) {
    %c0_i32 = arith.constant 0 : i32
    %c0_i32_0 = arith.constant 0 : i32
    %c0_i32_1 = arith.constant 0 : i32
    return %arg0, %c0_i32, %c0_i32_0 : i32, i32, i32
  }
}

module attributes {stable_mosaic.version = 14 : i64} {
  func.func @_sig_nms_body(%arg0: i32, %arg1: memref<1x256x256xf32, #tpu.memory_space<vmem>>, %arg2: memref<1x256x256xf32, #tpu.memory_space<vmem>>, %arg3: memref<1x256x256xf32, #tpu.memory_space<vmem>>) attributes {dimension_semantics = [#tpu.dimension_semantics<arbitrary>], iteration_bounds = array<i64: 136>, scalar_prefetch = 0 : i64, scratch_operands = 0 : i64, tpu.core_type = #tpu.core_type<tc>, window_params = [{transform_indices = @transform_0, window_bounds = array<i64: 1, 256, 256>}, {transform_indices = @transform_1, window_bounds = array<i64: 1, 256, 256>}, {transform_indices = @transform_2, window_bounds = array<i64: 1, 256, 256>}]} {
    %get3A = arith.constant 0 : index
    %get3A_0 = arith.constant 0 : index
    %get3A_1 = arith.constant 0 : index
    %get3A_2 = vector.load %arg1[%get3A, %get3A_0, %get3A_1] : memref<1x256x256xf32, #tpu.memory_space<vmem>>, vector<1x256x256xf32>
    %get3A_3 = vector.shape_cast %get3A_2 : vector<1x256x256xf32> to vector<256x256xf32>
    %logistic3A = arith.negf %get3A_3 : vector<256x256xf32>
    %logistic3A_4 = math.exp %logistic3A : vector<256x256xf32>
    %logistic3A_5 = arith.constant 1.000000e+00 : f32
    %logistic3A_6 = vector.broadcast %logistic3A_5 : f32 to vector<256x256xf32>
    %logistic3A_7 = arith.addf %logistic3A_6, %logistic3A_4 : vector<256x256xf32>
    %logistic3A_8 = arith.divf %logistic3A_6, %logistic3A_7 : vector<256x256xf32>
    %swap3A = arith.constant 0 : index
    %swap3A_9 = arith.constant 0 : index
    %swap3A_10 = arith.constant 0 : index
    %swap3A_11 = vector.load %arg2[%swap3A, %swap3A_9, %swap3A_10] : memref<1x256x256xf32, #tpu.memory_space<vmem>>, vector<1x256x256xf32>
    %swap3A_12 = vector.shape_cast %swap3A_11 : vector<1x256x256xf32> to vector<256x256xf32>
    %swap3A_13 = vector.shape_cast %logistic3A_8 : vector<256x256xf32> to vector<1x256x256xf32>
    tpu.vector_store %arg2[%swap3A, %swap3A_9, %swap3A_10], %swap3A_13 {strides = array<i32>} : memref<1x256x256xf32, #tpu.memory_space<vmem>>, vector<1x256x256xf32>,
    %broadcast_in_dim3A = arith.constant 0xFF800000 : f32
    %broadcast_in_dim3A_14 = vector.broadcast %broadcast_in_dim3A : f32 to vector<256x1xf32>
    %slice3A = vector.extract_strided_slice %get3A_3 {offsets = [0, 1], sizes = [256, 255], strides = [1, 1]} : vector<256x256xf32> to vector<256x255xf32>
    %concatenate3A = tpu.concatenate %slice3A, %broadcast_in_dim3A_14 in 1 : vector<256x255xf32>, vector<256x1xf32> -> vector<256x256xf32>
    %max3A = arith.maximumf %get3A_3, %concatenate3A : vector<256x256xf32>
    %slice3A_15 = vector.extract_strided_slice %get3A_3 {offsets = [0, 0], sizes = [256, 255], strides = [1, 1]} : vector<256x256xf32> to vector<256x255xf32>
    %concatenate3A_16 = tpu.concatenate %broadcast_in_dim3A_14, %slice3A_15 in 1 : vector<256x1xf32>, vector<256x255xf32> -> vector<256x256xf32>
    %max3A_17 = arith.maximumf %max3A, %concatenate3A_16 : vector<256x256xf32>
    %broadcast_in_dim3A_18 = arith.constant 0xFF800000 : f32
    %broadcast_in_dim3A_19 = vector.broadcast %broadcast_in_dim3A_18 : f32 to vector<1x256xf32>
    %slice3A_20 = vector.extract_strided_slice %max3A_17 {offsets = [1, 0], sizes = [255, 256], strides = [1, 1]} : vector<256x256xf32> to vector<255x256xf32>
    %concatenate3A_21 = tpu.concatenate %slice3A_20, %broadcast_in_dim3A_19 in 0 : vector<255x256xf32>, vector<1x256xf32> -> vector<256x256xf32>
    %max3A_22 = arith.maximumf %max3A_17, %concatenate3A_21 : vector<256x256xf32>
    %slice3A_23 = vector.extract_strided_slice %max3A_17 {offsets = [0, 0], sizes = [255, 256], strides = [1, 1]} : vector<256x256xf32> to vector<255x256xf32>
    %concatenate3A_24 = tpu.concatenate %broadcast_in_dim3A_19, %slice3A_23 in 0 : vector<1x256xf32>, vector<255x256xf32> -> vector<256x256xf32>
    %max3A_25 = arith.maximumf %max3A_22, %concatenate3A_24 : vector<256x256xf32>
    %eq3A = arith.cmpf oeq, %max3A_25, %get3A_3 : vector<256x256xf32>
    %jit3A = arith.constant 0.000000e+00 : f32
    %broadcast_in_dim3A_26 = vector.broadcast %jit3A : f32 to vector<256x256xf32>
    %select_n3A = arith.select %eq3A, %logistic3A_8, %broadcast_in_dim3A_26 : vector<256x256xi1>, vector<256x256xf32>
    %swap3A_27 = arith.constant 0 : index
    %swap3A_28 = arith.constant 0 : index
    %swap3A_29 = arith.constant 0 : index
    %swap3A_30 = vector.load %arg3[%swap3A_27, %swap3A_28, %swap3A_29] : memref<1x256x256xf32, #tpu.memory_space<vmem>>, vector<1x256x256xf32>
    %swap3A_31 = vector.shape_cast %swap3A_30 : vector<1x256x256xf32> to vector<256x256xf32>
    %swap3A_32 = vector.shape_cast %select_n3A : vector<256x256xf32> to vector<1x256x256xf32>
    tpu.vector_store %arg3[%swap3A_27, %swap3A_28, %swap3A_29], %swap3A_32 {strides = array<i32>} : memref<1x256x256xf32, #tpu.memory_space<vmem>>, vector<1x256x256xf32>,
    return
  }
  func.func @transform_0(%arg0: i32) -> (i32, i32, i32) {
    %c0_i32 = arith.constant 0 : i32
    %c0_i32_0 = arith.constant 0 : i32
    %c0_i32_1 = arith.constant 0 : i32
    return %arg0, %c0_i32, %c0_i32_0 : i32, i32, i32
  }
  func.func @transform_1(%arg0: i32) -> (i32, i32, i32) {
    %c0_i32 = arith.constant 0 : i32
    %c0_i32_0 = arith.constant 0 : i32
    %c0_i32_1 = arith.constant 0 : i32
    return %arg0, %c0_i32, %c0_i32_0 : i32, i32, i32
  }
  func.func @transform_2(%arg0: i32) -> (i32, i32, i32) {
    %c0_i32 = arith.constant 0 : i32
    %c0_i32_0 = arith.constant 0 : i32
    %c0_i32_1 = arith.constant 0 : i32
    return %arg0, %c0_i32, %c0_i32_0 : i32, i32, i32
  }
}

</mosaic_0001>

<sc_bundles>
// kernel: gather_offload_async_start.1
scs
__scs_entry_jumppad:
0x0: {  	(pc) =	sbr.rel $0x88, $3  }
0x1: {  	(tag) =	ssettag $0x0;
	lr =	simm.s32 $0x1  }
0x2: {  	[smem:$0x3F9B] =	sst lr;
	_ =	strace $0xD0000000  }
0x3: {  	_ = 	snop  }
0x4: {  	_ = 	snop  }
0x5: {  	_ = 	snop  }
0x6: {  	_ = 	snop  }
0x7: {  	_ = 	snop  }
__scs_overlays_trampoline_lowered:
0x8: {  	[smem:$0x3FAA] =	sst s0  }
0x9: {  	[smem:$0x3FAB] =	sst s1  }
0xa: {  	[smem:$0x3FAC] =	sst s2  }
0xb: {  	[smem:$0x3FAD] =	sst s3  }
0xc: {  	[smem:$0x3FAE] =	sst s4  }
0xd: {  	[smem:$0x3FAF] =	sst s5  }
0xe: {  	[smem:$0x3FB0] =	sst s6  }
0xf: {  	[smem:$0x3FB1] =	sst s7  }
0x10: {  	[smem:$0x3FB2] =	sst s8  }
0x11: {  	[smem:$0x3FB3] =	sst s9;
	s0 =	simm.s32 @!p0 $0x0  }
0x12: {  	s1 =	sld [smem:$0x3F99];
	s0 =	simm.s32 @p0 $0x1  }
0x13: {  	[smem:$0x3FB4] =	sst s0;
	s0 =	simm.s32 @!p1 $0x0  }
0x14: {  	s2 =	sld [smem:$0x3F98];
	s0 =	simm.s32 @p1 $0x1  }
0x15: {  	[smem:$0x3FB5] =	sst s0;
	s0 =	simm.s32 @!p2 $0x0  }
0x16: {  	s3 =	sld [smem:$0x3FDB];
	s0 =	simm.s32 @p2 $0x1  }
0x17: {  	s4 =	simm.s32 $0x1BF5;
	[smem:$0x3FB7] =	sst s0  }
0x18: {  	s0 =	sld [smem:$0x3F9A];
	_ =	swait.ge [sflag:s4], $0x0  }
0x19: {  	s7 =	sld [smem:$0x3F9B]  }
0x1a: {  	s8 =	sadd.s32 $0xFFFFE003, lr  }
0x1b: {  	s9 =	sadd.s32 $0xFFFFFEF7, lr;
	s5 =	simm.s32 $0xFFFFFFFF;
	p2 =	slt.u32 s8, $0xFFFFF086  }
0x1c: {  	p1 =	slt.u32 s9, $0xF7A;
	s5 =	simm.s32 @!p2 $0x0  }
0x1d: {  	s5 =	simm.s32 @p1 $0x1;
	p0 =	seq.s32 s7, s2  }
0x1e: {  	s7 =	smul.u32 @!p0 $0xF7A, s2;
	p2 =	seq.s32 @!p0 s5, $0x0  }
0x1f: {  	s9 =	smul.u32 $0xF7A, s1;
	s8 =	simm.s32 @!p0 $0x1BF5;
	p2 =	por !p2, p0  }
0x20: {  	[sflag:s8] =	ssyncset.s32 @!p0 $0xFFFFF086;
	s6 =	sadd.s32 @!p0 s3, s7;
	s7 =	simm.s32 @!p0 $0x108  }
0x21: {  	s3 =	sadd.s32 s3, s9;
	s6 =	sadd.s32 @!p0 $0x88, s6;
	s7 =	simm.s32 @p2 $0x1082  }
0x22: {  	[simem:s7], [sflag:s8] =	dma.local @!p0 [hbm:s6], $0xF7A  }
0x23: {  	s9 =	sor.u32 $0xD0000000, s2;
	s6 =	simm.s32 $0x108;
	_ =	swait.ge @!p0 [sflag:s8], $0x0  }
0x24: {  	s3 =	sadd.s32 $0x88, s3;
	s6 =	simm.s32 @!p1 $0x1082;
	[sflag:s4] =	ssyncset.s32 $0xFFFFF086  }
0x25: {  	[simem:s6], [sflag:s4] =	dma.local [hbm:s3], $0xF7A  }
0x26: {  	[smem:$0x3F9B] =	sst s1;
	(tag) =	ssettag s2;
	_ =	strace s9  }
0x27: {  	s1 =	sld [smem:$0x3FAB]  }
0x28: {  	s2 =	sld [smem:$0x3FAC]  }
0x29: {  	s4 =	sld [smem:$0x3FAE]  }
0x2a: {  	p0 =	seq.s32 s5, $0x0;
	s5 =	sld [smem:$0x3FAF]  }
0x2b: {  	s6 =	sld [smem:$0x3FB0]  }
0x2c: {  	s7 =	sld [smem:$0x3FB1]  }
0x2d: {  	s3 =	simm.s32 $0x108;
	s8 =	sld [smem:$0x3FB2]  }
0x2e: {  	s3 =	simm.s32 @!p0 $0x1082;
	s9 =	sld [smem:$0x3FB3]  }
0x2f: {  	lr =	sadd.s32 s0, s3;
	s0 =	sld [smem:$0x3FAA]  }
0x30: {  	s3 =	sld [smem:$0x3FAD]  }
0x31: {  	[smem:$0x3FB6] =	sst s10  }
0x32: {  	s10 =	sld [smem:$0x3FB4];
	_ =	sdelay $0x3  }
0x33: {  	p0 =	seq.s32 s10, $0x1;
	s10 =	sld [smem:$0x3FB6];
	_ =	sdelay $0x3  }
0x34: {  	[smem:$0x3FB6] =	sst s10  }
0x35: {  	s10 =	sld [smem:$0x3FB5];
	_ =	sdelay $0x3  }
0x36: {  	p1 =	seq.s32 s10, $0x1;
	s10 =	sld [smem:$0x3FB6];
	_ =	sdelay $0x3  }
0x37: {  	[smem:$0x3FB6] =	sst s10  }
0x38: {  	s10 =	sld [smem:$0x3FB7]  }
0x39: {  	_ = 	snop;
	(pc) =	sbr.ind lr, $3  }
0x3a: {  	_ = 	snop  }
0x3b: {  	_ = 	snop  }
0x3c: {  	p2 =	seq.s32 s10, $0x1;
	s10 =	sld [smem:$0x3FB6]  }
0x3d: {  	_ =	shalt  }
0x3e: {  	_ =	shalt  }
0x3f: {  	_ =	shalt  }
0x40: {  	_ =	shalt  }
0x41: {  	_ =	shalt  }
0x42: {  	_ =	shalt  }
0x43: {  	_ =	shalt  }
0x44: {  	_ =	shalt  }
0x45: {  	_ =	shalt  }
0x46: {  	_ =	shalt  }
0x47: {  	_ =	shalt  }
0x48: {  	_ =	shalt  }
0x49: {  	_ =	shalt  }
0x4a: {  	_ =	shalt  }
0x4b: {  	_ =	shalt  }
0x4c: {  	_ =	shalt  }
0x4d: {  	_ =	shalt  }
0x4e: {  	_ =	shalt  }
0x4f: {  	_ =	shalt  }
0x50: {  	_ =	shalt  }
0x51: {  	_ =	shalt  }
0x52: {  	_ =	shalt  }
0x53: {  	_ =	shalt  }
0x54: {  	_ =	shalt  }
0x55: {  	_ =	shalt  }
0x56: {  	_ =	shalt  }
0x57: {  	_ =	shalt  }
0x58: {  	_ =	shalt  }
0x59: {  	_ =	shalt  }
0x5a: {  	_ =	shalt  }
0x5b: {  	_ =	shalt  }
0x5c: {  	_ =	shalt  }
0x5d: {  	_ =	shalt  }
0x5e: {  	_ =	shalt  }
0x5f: {  	_ =	shalt  }
0x60: {  	_ =	shalt  }
0x61: {  	_ =	shalt  }
0x62: {  	_ =	shalt  }
0x63: {  	_ =	shalt  }
0x64: {  	_ =	shalt  }
0x65: {  	_ =	shalt  }
0x66: {  	_ =	shalt  }
0x67: {  	_ =	shalt  }
0x68: {  	_ =	shalt  }
0x69: {  	_ =	shalt  }
0x6a: {  	_ =	shalt  }
0x6b: {  	_ =	shalt  }
0x6c: {  	_ =	shalt  }
0x6d: {  	_ =	shalt  }
0x6e: {  	_ =	shalt  }
0x6f: {  	_ =	shalt  }
0x70: {  	_ =	shalt  }
0x71: {  	_ =	shalt  }
0x72: {  	_ =	shalt  }
0x73: {  	_ =	shalt  }
0x74: {  	_ =	shalt  }
0x75: {  	_ =	shalt  }
0x76: {  	_ =	shalt  }
0x77: {  	_ =	shalt  }
0x78: {  	_ =	shalt  }
0x79: {  	_ =	shalt  }
0x7a: {  	_ =	shalt  }
0x7b: {  	_ =	shalt  }
0x7c: {  	_ =	shalt  }
0x7d: {  	_ =	shalt  }
0x7e: {  	_ =	shalt  }
0x7f: {  	_ =	shalt  }
0x80: {  	_ =	shalt  }
0x81: {  	_ =	shalt  }
0x82: {  	_ =	shalt  }
0x83: {  	_ =	shalt  }
0x84: {  	_ =	shalt  }
0x85: {  	_ =	shalt  }
0x86: {  	_ =	shalt  }
0x87: {  	_ =	shalt  }
.Lfunc_end0:
.L_simem_size_0:
called_computation.2_lowered:
.L_overlay_start_0:
0x88: {  	s2 =	sld [smem:$0x3FD9]  }
0x89: {  	s3 =	sld [smem:$0x3FFE];
	_ =	sdelay $0x1  }
0x8a: {  	s1 =	srdreg.scid  }
0x8b: {  	s0 =	sand.u32 $0x1, s1  }
0x8c: {  	s15 =	sshll.u32 s0, $0xA;
	s2 =	sadd.s32 s3, s2  }
0x8d: {  	s2 =	sadd.s32 s2, s15  }
0x8e: {  	[smem:$0x3FC2] =	sst s2  }
0x8f: {  	_ = 	snop  }
0x90: {  	s2 =	sld [smem:$0x3FD0];
	_ =	sdelay $0x2  }
0x91: {  	s16 =	simm.s32 $0xD;
	s4 =	simm.s32 $0x10  }
0x92: {  	[smem:s4], [sflag:s16] =	dma.local [hbm:s2], $0x1  }
0x93: {  	_ =	swait.eq [sflag:s16], $0x1  }
0x94: {  	[sflag:s16] =	ssyncset.done $0x0  }
0x95: {  	[sflag:s16] =	ssyncadd.s32 $0xFFFFFFFF  }
0x96: {  	s17 =	sld [smem:$0x11];
	(tm) =	ssettm $0x1  }
0x97: {  	s18 =	sld [smem:$0x3FFB];
	_ =	sdelay $0x3  }
0x98: {  	_ =	strace s18  }
0x99: {  	s2 =	sld [smem:$0x3FFC];
	_ =	sdelay $0x3  }
0x9a: {  	_ =	strace s2  }
0x9b: {  	s2 =	sld [smem:$0x3FFD];
	_ =	sdelay $0x3  }
0x9c: {  	_ =	strace s2  }
0x9d: {  	_ =	strace $0x8FFFFFFF  }
0x9e: {  	s19 =	sld [smem:$0x3FDB];
	_ =	sdelay $0x1  }
0x9f: {  	s20 =	simm.s32 $_scs_section_size  }
0xa0: {  	s5 =	simm.s32 $_size__tile_overlayer_lowered;
	s6 =	simm.s32 $_tile_overlayer_lowered  }
0xa1: {  	s7 =	simm.s32 $0x1BFF;
	s21 =	sshll.u32 s6, $0x1;
	s4 =	sadd.s32 s20, s19  }
0xa2: {  	s22 =	simm.s32 $0x0;
	s5 =	sshll.u32 s5, $0x1;
	s6 =	sadd.s32 s21, s4  }
0xa3: {  	[timem:s22], [sflag:s7] =	dma.local [hbm:s6], s5  }
0xa4: {  	_ =	swait.ge [sflag:s7], s5  }
0xa5: {  	s5 =	ssub.s32 $0x0, s5;
	[sflag:s7] =	ssyncset.done $0x0  }
0xa6: {  	[sflag:s7] =	ssyncadd.s32 s5;
	_ =	sdelay $0x1  }
0xa7: {  	s23 =	simm.s32 $0x1B8B  }
0xa8: {  	_ =	swait.ge [sflag:s23], $0x1  }
0xa9: {  	[sflag:s23] =	ssyncset.done $0x0  }
0xaa: {  	[sflag:s23] =	ssyncadd.s32 $0xFFFFFFFF  }
0xab: {  	s5 =	sld [smem:$0x0]  }
0xac: {  	s6 =	sand.u32 $0xFFFFFFFE, s1  }
0xad: {  	p0 =	sne.s32 s1, s6  }
0xae: {  	s6 =	sshll.u32 @p0 s6, $0xE  }
0xaf: {  	s6 =	sadd.s32 @p0 $0x11B8D, s6;
	s7 =	sshll.u32 @p0 s5, $0x11  }
0xb0: {  	s6 =	sor.u32 @p0 s7, s6  }
0xb1: {  	[sflag:s6] =	ssyncadd.remote.s32 @p0 $0x1;
	_ =	sdelay $0x1  }
0xb2: {  	s6 =	simm.s32 @p0 $0x1B8D  }
0xb3: {  	_ =	swait.eq @p0 [sflag:s6], $0x1  }
0xb4: {  	[sflag:s6] =	ssyncadd.s32 @p0 $0xFFFFFFFF  }
0xb5: {  	s7 =	sshll.u32 @!p0 s1, $0xE  }
0xb6: {  	s7 =	sor.u32 @!p0 $0x4000, s7;
	s6 =	simm.s32 @!p0 $0x1B8D  }
0xb7: {  	s5 =	sshll.u32 @!p0 s5, $0x11;
	s7 =	sadd.s32 @!p0 $0x11B8D, s7;
	_ =	swait.eq @!p0 [sflag:s6], $0x1  }
0xb8: {  	s5 =	sor.u32 @!p0 s5, s7;
	[sflag:s6] =	ssyncadd.s32 @!p0 $0xFFFFFFFF  }
0xb9: {  	s25 =	simm.s32 $0x1B8E;
	s24 =	sld [smem:$0x3FFE];
	[sflag:s5] =	ssyncadd.remote.s32 @!p0 $0x1  }
0xba: {  	s26 =	simm.s32 $execute0_lowered;
	[smem:$0x3FD2] =	sst s25  }
0xbb: {  	s6 =	sshll.u32 s26, $0x1;
	_ =	strace $0x8000004C;
	[dreg:$0x1] =	wrdreg $0xFFFFFFFF  }
0xbc: {  	s28 =	simm.s32 $_size_execute0_lowered;
	s4 =	sadd.s32 s4, s6;
	[dreg:$0x0] =	wrdreg $0x0  }
0xbd: {  	s6 =	sshll.u32 s28, $0x1;
	[dreg:$0x2] =	wrdreg s4  }
0xbe: {  	[dreg:$0x3] =	wrdreg s6  }
0xbf: {  	[dreg:$0x4] =	wrdreg $0xC0  }
0xc0: {  	_ =	task [dreg:s22], $0x5FFFF  }
0xc1: {  	[dreg:$0x1] =	wrdreg $0xFFFFFFFF  }
0xc2: {  	[dreg:$0x0] =	wrdreg $0x60  }
0xc3: {  	[dreg:$0x2] =	wrdreg s17  }
0xc4: {  	[dreg:$0x3] =	wrdreg s24  }
0xc5: {  	[dreg:$0x4] =	wrdreg $0xA  }
0xc6: {  	_ =	task.clear_ibuf [dreg:s22], $0x5FFFF;
	_ =	strace $0x9000004C  }
0xc7: {  	s29 =	simm.s32 $0xA;
	_ =	strace $0x8000004E  }
0xc8: {  	_ =	swait.ge [sflag:s29], $0x1  }
0xc9: {  	[sflag:s29] =	ssyncadd.s32 $0xFFFFFFFF  }
0xca: {  	_ =	strace $0x9000004E  }
0xcb: {  	_ =	sfence  }
0xcc: {  	s30 =	sld [smem:$0x0];
	_ =	sdelay $0x2  }
0xcd: {  	s31 =	sshll.u32 s1, $0xD;
	s1 =	sshrl.u32 s1, $0x2  }
0xce: {  	s4 =	sand.u32 $0x4000, s31;
	s1 =	sadd.s32 s1, s30  }
0xcf: {  	s0 =	sor.u32 s4, s0;
	s1 =	sshll.u32 s1, $0x11  }
0xd0: {  	s0 =	sor.u32 s1, s0  }
0xd1: {  	s0 =	sadd.s32 $0x8F2B, s0  }
0xd2: {  	[sflag:s0] =	ssyncadd.remote.s32 $0x1  }
0xd3: {  	_ =	sfence.sel $0xFFFF  }
0xd4: {  	[dreg:$0x0] =	wrdreg $0xFFFFFFFF;
	(pc) =	sbr.abs _section_cstart, $3  }
0xd5: {  	[dreg:$0x1] =	wrdreg $0xFFFFFFFF  }
0xd6: {  	_ =	task.clear_ibuf [dreg:s22], $0x2FFFF;
	_ =	strace $0x9FFFFFFF  }
0xd7: {  	(tm) =	ssettm $0x7FFFFFFF  }
tec
execute0_lowered:
.L_overlay_start_1:
0x0: {  	(tag) =	ssettag $0x1  }
0x1: {  	s2 =	rddreg [dreg:$0x0];
	s0 =	stileid.u32  }
0x2: {  	s1 =	srdreg.scid;
	s8 =	rddreg [dreg:$0x1]  }
0x3: {  	s5 =	simm.s32 $0x1;
	s9 =	simm.s32 $0x1;
	s10 =	simm.s32 $0x3  }
0x4: {  	s13 =	simm.s32 $0x0;
	s3 =	sand.u32 $0x1, s1;
	s4 =	sshll.u32 s0, $0x1  }
0x5: {  	s12 =	simm.s32 $0x0;
	s1 =	rddreg [dreg:$0x2];
	s6 =	sor.u32 s4, s3  }
0x6: {  	_ =	strace $0x8000004D;
	s3 =	sadd.s32 $0x2800, s8;
	s4 =	smul.u32 $0x320, s6  }
0x7: {  	[sflag:s5] =	ssyncpa.u1 $0x0;
	p0 =	slt.u32 s6, $0x3;
	s6 =	simm.s32 $0x6400  }
.Ltmp0:
0x8: {  	s6 =	simm.s32 @!p0 $0x0;
	s7 =	ssub.s32 $0x6A40, s4;
	(pc) =	sbr.rel .LBB2_1-.Ltmp0, $4  }
0x9: {  	s9 =	simm.s32 @!p0 $0x0;
	p0 =	sne.s32 s7, s6;
	s7 =	simm.s32 $0x1  }
0xa: {  	s8 =	sadd.s32 $0x3800, s8;
	s6 =	simm.s32 $0x2;
	s7 =	simm.s32 @!p0 $0x0  }
0xb: {  	s11 =	smov.u32 s4;
	[sflag:s6] =	ssyncpa.u1 $0x0;
	s7 =	sadd.s32 s9, s7  }
0xc: {  	vm0 =	vmmov $0xffff;
	[sflag:s10] =	ssyncpa.u1 $0x0;
	s10 =	simm.s32 $0x0;
	s9 =	sadd.s32 $0x1, s7  }
.LBB2_4:
0xd: {  	v2 =	vand.u32 $0x1, v2;
	v3 =	vshrl.u32 v0, $0x4;
	v63 =	vshll.u32 v0, $0x11  }
0xe: {  	v2 =	vsel vm1, $0xFFFFFFFF, v2;
	v3 =	vand.u32 $0xFFFF, v3;
	v0 =	vand.u32 $0xE0000, v63  }
0xf: {  	v3 =	vsel vm1, $0xFFFFFFFF, v3;
	v0 =	vsel vm1, $0xFFFE0000, v0;
	v4 =	vand.u32 $0xFFFE0000, v2  }
0x10: {  	v5 =	vand.u32 $0x7F, v3;
	v0 =	vadd.s32 v0, v4;
	v3 =	vshll.u32 v3, $0x1  }
0x11: {  	v2 =	vshll.u32 v2, $0x7;
	v3 =	vand.u32 $0xFFFFFF00, v3;
	v0 =	vor.u32 v5, v0  }
0x12: {  	v2 =	vand.u32 $0x80, v2;
	v0 =	vadd.s32 v3, v0  }
0x13: {  	v0 =	vor.u32 v2, v0;
	_ =	sdelay $0x1  }
0x14: {  	(ifvalue) =	ssetifvalue $0x7FFFFFFF;
	s15 =	sadd.s32 $0x10, s15  }
0x15: {  	[tilespmem:s15], [sflag:$0x1] =	stream.indirect_vreg.gather [hbm4b:s2+s10], $0x1, v1, vm0, $0x4038;
	[tilespmem:$0xC80] =	vst v63  }
0x16: {  	(ifvalue) =	ssetifvalue $0x7FFFFFFF;
	s15 =	sadd.s32 $0x10, s15  }
0x17: {  	[tilespmem:s15], [sflag:$0x1] =	stream.indirect_vreg.gather [hbm4b:s2+s10], $0x1, v0, vm0, $0x4038;
	[tilespmem:$0xC80] =	vst v63  }
0x18: {  	_ =	swait.ge [sflag:s5], $0x320  }
0x19: {  	s30 =	sshrl.u32 s13, $0x3;
	[sflag:s5] =	ssyncset.done $0x0  }
0x1a: {  	s31 =	sand.u32 $0x7, s13;
	s15 =	sadd.s32 s8, s30;
	[sflag:s5] =	ssyncadd.s32 $0xFFFFFCE0  }
0x1b: {  	[hbm4b:s15+s31] =	stream.linear.scatter [tilespmem:s14], [sflag:$0x3], $0x320, $0x38;
	[tilespmem:$0xC80] =	vst v63  }
.LBB2_5:
0x1c: {  	s15 =	sadd.s32 $0x6400, s11  }
0x1d: {  	p1 =	sgt.s32 s15, $0x6A3F  }
0x1e: {  	s15 =	smov.u32 @p1 s4;
	p1 =	sne.s32 s12, s9  }
.Ltmp1:
0x1f: {  	p0 =	slt.u32 s12, $0x2;
	(pc) =	sbr.rel @!p1 .LBB2_6-.Ltmp1, $4  }
0x20: {  	s14 =	simm.s32 @!p0 $0x3  }
0x21: {  	_ =	swait.ge @!p0 [sflag:s14], $0x320  }
0x22: {  	s16 =	sadd.s32 $0x1, s12;
	s13 =	smov.u32 s11;
	[sflag:s14] =	ssyncset.done @!p0 $0x0  }
0x23: {  	s12 =	smov.u32 s16;
	s11 =	smov.u32 s15;
	[sflag:s14] =	ssyncadd.s32 @!p0 $0xFFFFFCE0  }
.LBB2_1:
0x24: {  	p0 =	sge.u32 s12, s7  }
0x25: {  	s14 =	sxor.u32 @!p0 $0x1, s12  }
0x26: {  	s14 =	smul.u32 @!p0 $0xC80, s14  }
0x27: {  	s31 =	sadd.s32 $0xFFFFFFFF, s12;
	s15 =	sshrl.u32 @!p0 s11, $0x3  }
0x28: {  	s16 =	sand.u32 @!p0 $0x7, s11;
	s15 =	sadd.s32 @!p0 s3, s15;
	s14 =	sshra.s32 @!p0 s14, $0x2  }
0x29: {  	[tilespmem:s14], [sflag:$0x2] =	stream.linear.gather @!p0 [hbm4b:s15+s16], $0x320, $0x38;
	[tilespmem:$0xC80] =	vst v63  }
0x2a: {  	p0 =	sge.u32 s31, s7  }
.Ltmp2:
0x2b: {  	_ = 	snop;
	(pc) =	sbr.rel @p0 .LBB2_5-.Ltmp2, $1  }
0x2c: {  	_ =	sdelay $0x3  }
0x2d: {  	s14 =	sand.u32 $0x1, s12  }
0x2e: {  	_ =	swait.ge [sflag:s6], $0x320;
	p0 =	seq.s32 s14, $0x1;
	s14 =	simm.s32 $0x320  }
0x2f: {  	[sflag:s6] =	ssyncset.done $0x0;
	s14 =	simm.s32 @!p0 $0x0  }
0x30: {  	[sflag:s6] =	ssyncadd.s32 $0xFFFFFCE0;
	(ifvalue) =	ssetifvalue $0x7FFFFFFF;
	v0 =	vld.msk [tilespmem:s14+$0x0 ss:$0x1], $0xffff;
	_ =	sdelay $0x1  }
0x31: {  	s15 =	sadd.s32 $0x10, s14  }
0x32: {  	v3 =	vld.msk [tilespmem:s15+$0x0 ss:$0x1], $0xffff;
	_ =	sdelay $0x1  }
0x33: {  	vm1 =	veq.s32 v0, $0x80000000  }
0x34: {  	v1 =	vshrl.u32 v0, $0x3;
	v2 =	vshrl.u32 v0, $0x4;
	v0 =	vshll.u32 v0, $0x11  }
0x35: {  	v1 =	vand.u32 $0x1, v1;
	v2 =	vand.u32 $0xFFFF, v2;
	v0 =	vand.u32 $0xE0000, v0  }
0x36: {  	v62 =	vshrl.u32 v3, $0x4;
	v1 =	vsel vm1, $0xFFFFFFFF, v1;
	v2 =	vsel vm1, $0xFFFFFFFF, v2  }
0x37: {  	v0 =	vsel vm1, $0xFFFE0000, v0;
	vm1 =	veq.s32 v3, $0x80000000;
	v4 =	vand.u32 $0xFFFE0000, v1  }
0x38: {  	v5 =	vand.u32 $0x7F, v2;
	v2 =	vshll.u32 v2, $0x1;
	v0 =	vadd.s32 v0, v4  }
0x39: {  	v1 =	vshll.u32 v1, $0x7;
	v2 =	vand.u32 $0xFFFFFF00, v2;
	v0 =	vor.u32 v5, v0  }
0x3a: {  	v1 =	vand.u32 $0x80, v1;
	v0 =	vadd.s32 v2, v0;
	v2 =	vshrl.u32 v3, $0x3  }
0x3b: {  	s15 =	sadd.s32 $0x10, s15;
	v3 =	vshll.u32 v3, $0x11;
	v1 =	vor.u32 v1, v0;
	v2 =	vand.u32 $0x1, v2  }
0x3c: {  	v4 =	vand.u32 $0xFFFF, v62;
	v0 =	vld.msk [tilespmem:s15+$0x0 ss:$0x1], $0xffff;
	v3 =	vand.u32 $0xE0000, v3;
	v2 =	vsel vm1, $0xFFFFFFFF, v2  }
0x3d: {  	v4 =	vsel vm1, $0xFFFFFFFF, v4;
	v3 =	vsel vm1, $0xFFFE0000, v3;
	v63 =	vand.u32 $0xFFFE0000, v2  }
0x3e: {  	v6 =	vand.u32 $0x7F, v4;
	v4 =	vshll.u32 v4, $0x1;
	v3 =	vadd.s32 v3, v63  }
0x3f: {  	s14 =	sadd.s32 $0x640, s14;
	(ifvalue) =	ssetifvalue $0x7FFFFFFF;
	v4 =	vand.u32 $0xFFFFFF00, v4;
	v2 =	vshll.u32 v2, $0x7;
	v3 =	vor.u32 v6, v3  }
0x40: {  	[tilespmem:s14], [sflag:$0x1] =	stream.indirect_vreg.gather [hbm4b:s2+s10], $0x1, v1, vm0, $0x4038;
	v1 =	vand.u32 $0x80, v2;
	v3 =	vadd.s32 v4, v3;
	[tilespmem:$0xC80] =	vst v63  }
0x41: {  	s16 =	simm.s32 $0x20;
	s17 =	sadd.s32 $0x10, s15;
	s15 =	smov.u32 s14;
	vm1 =	veq.s32 v0, $0x80000000;
	v2 =	vshrl.u32 v0, $0x3;
	v1 =	vor.u32 v1, v3  }
.LBB2_3:
0x42: {  	s16 =	sadd.s32 $0x10, s16;
	v2 =	vand.u32 $0x1, v2;
	v3 =	vshrl.u32 v0, $0x4;
	v4 =	vshll.u32 v0, $0x11;
	v0 =	vld.msk [tilespmem:s17+$0x0 ss:$0x1], $0xffff  }
0x43: {  	p0 =	slt.u32 s16, $0x310;
	v2 =	vsel vm1, $0xFFFFFFFF, v2;
	v3 =	vand.u32 $0xFFFF, v3;
	v4 =	vand.u32 $0xE0000, v4  }
.Ltmp3:
0x44: {  	v3 =	vsel vm1, $0xFFFFFFFF, v3;
	v4 =	vsel vm1, $0xFFFE0000, v4;
	v5 =	vand.u32 $0xFFFE0000, v2;
	(pc) =	sbr.rel @p0 .LBB2_3-.Ltmp3, $4  }
0x45: {  	s15 =	sadd.s32 $0x10, s15;
	v6 =	vand.u32 $0x7F, v3;
	v4 =	vadd.s32 v4, v5;
	v3 =	vshll.u32 v3, $0x1;
	(ifvalue) =	ssetifvalue $0x7FFFFFFF  }
0x46: {  	v2 =	vshll.u32 v2, $0x7;
	v3 =	vand.u32 $0xFFFFFF00, v3;
	v4 =	vor.u32 v6, v4;
	[tilespmem:s15], [sflag:$0x1] =	stream.indirect_vreg.gather [hbm4b:s2+s10], $0x1, v1, vm0, $0x4038;
	[tilespmem:$0xC80] =	vst v63  }
0x47: {  	v1 =	vand.u32 $0x80, v2;
	v3 =	vadd.s32 v3, v4  }
0x48: {  	s17 =	sadd.s32 $0x10, s17;
	vm1 =	veq.s32 v0, $0x80000000;
	v2 =	vshrl.u32 v0, $0x3;
	v1 =	vor.u32 v1, v3  }
.Ltmp4:
0x49: {  	_ = 	snop;
	(pc) =	sbr.rel .LBB2_4-.Ltmp4, $1  }
0x4a: {  	_ =	sdelay $0x3  }
.LBB2_6:
0x4b: {  	_ =	sfence.sel $0x180000  }
0x4c: {  	s2 =	simm.s32 $0x2;
	[bflag:$0x0] =	sbarrier.arrive $0xFFFF  }
0x4d: {  	s30 =	simm.s32 $0x3;
	[sflag:s2] =	ssyncpa.u1 $0x1  }
0x4e: {  	s31 =	simm.s32 $0x1;
	[sflag:s30] =	ssyncpa.u1 $0x1  }
0x4f: {  	[sflag:s31] =	ssyncpa.u1 $0x1  }
0x50: {  	p0 =	sne.s32 s0, $0x0;
	_ =	strace $0x9000004D  }
0x51: {  	s0 =	sadd.s32 @!p0 $0x100000, s1;
	[bflag:$0x2] =	sbarrier.arrive $0xFFFF  }
0x52: {  	[sflag:s0] =	ssyncadd.tile.s32 @!p0 $0x1;
	_ =	shalt  }
.Lfunc_end2:
_tile_overlayer_lowered:
.L_overlay_start_2:
0x53: {  	(tag) =	ssettag $0x2  }
0x54: {  	s0 =	rddreg [dreg:$0x0];
	s2 =	stileid.u32  }
0x55: {  	s1 =	rddreg [dreg:$0x1];
	p0 =	sne.s32 s2, $0x0  }
0x56: {  	s3 =	rddreg [dreg:$0x2];
	[bflag:$0x3] =	sbarrier.arrive $0xFFFF;
	s2 =	simm.s32 @!p0 $0x1C01  }
0x57: {  	[timem:s3], [sflag:s2] =	dma.local @!p0 [hbm:s0], s1  }
0x58: {  	s0 =	simm.s32 @!p0 $0x1  }
0x59: {  	_ =	swait.ge @!p0 [sflag:s0], s1  }
0x5a: {  	s1 =	ssub.s32 @!p0 $0x0, s1;
	[sflag:s0] =	ssyncset.done @!p0 $0x0  }
0x5b: {  	[sflag:s0] =	ssyncadd.s32 @!p0 s1  }
0x5c: {  	[bflag:$0x3] =	sbarrier.arrive $0xFFFF  }
0x5d: {  	_ =	shalt  }

// kernel: gather_offload_async_start.2
scs
__scs_entry_jumppad:
0x0: {  	(pc) =	sbr.rel $0x88, $3  }
0x1: {  	(tag) =	ssettag $0x0;
	lr =	simm.s32 $0x1  }
0x2: {  	[smem:$0x3F9B] =	sst lr;
	_ =	strace $0xD0000000  }
0x3: {  	_ = 	snop  }
0x4: {  	_ = 	snop  }
0x5: {  	_ = 	snop  }
0x6: {  	_ = 	snop  }
0x7: {  	_ = 	snop  }
__scs_overlays_trampoline_lowered:
0x8: {  	[smem:$0x3FAA] =	sst s0  }
0x9: {  	[smem:$0x3FAB] =	sst s1  }
0xa: {  	[smem:$0x3FAC] =	sst s2  }
0xb: {  	[smem:$0x3FAD] =	sst s3  }
0xc: {  	[smem:$0x3FAE] =	sst s4  }
0xd: {  	[smem:$0x3FAF] =	sst s5  }
0xe: {  	[smem:$0x3FB0] =	sst s6  }
0xf: {  	[smem:$0x3FB1] =	sst s7  }
0x10: {  	[smem:$0x3FB2] =	sst s8  }
0x11: {  	[smem:$0x3FB3] =	sst s9;
	s0 =	simm.s32 @!p0 $0x0  }
0x12: {  	s1 =	sld [smem:$0x3F99];
	s0 =	simm.s32 @p0 $0x1  }
0x13: {  	[smem:$0x3FB4] =	sst s0;
	s0 =	simm.s32 @!p1 $0x0  }
0x14: {  	s2 =	sld [smem:$0x3F98];
	s0 =	simm.s32 @p1 $0x1  }
0x15: {  	[smem:$0x3FB5] =	sst s0;
	s0 =	simm.s32 @!p2 $0x0  }
0x16: {  	s3 =	sld [smem:$0x3FDB];
	s0 =	simm.s32 @p2 $0x1  }
0x17: {  	s4 =	simm.s32 $0x1BF5;
	[smem:$0x3FB7] =	sst s0  }
0x18: {  	s0 =	sld [smem:$0x3F9A];
	_ =	swait.ge [sflag:s4], $0x0  }
0x19: {  	s7 =	sld [smem:$0x3F9B]  }
0x1a: {  	s8 =	sadd.s32 $0xFFFFE003, lr  }
0x1b: {  	s9 =	sadd.s32 $0xFFFFFEF7, lr;
	s5 =	simm.s32 $0xFFFFFFFF;
	p2 =	slt.u32 s8, $0xFFFFF086  }
0x1c: {  	p1 =	slt.u32 s9, $0xF7A;
	s5 =	simm.s32 @!p2 $0x0  }
0x1d: {  	s5 =	simm.s32 @p1 $0x1;
	p0 =	seq.s32 s7, s2  }
0x1e: {  	s7 =	smul.u32 @!p0 $0xF7A, s2;
	p2 =	seq.s32 @!p0 s5, $0x0  }
0x1f: {  	s9 =	smul.u32 $0xF7A, s1;
	s8 =	simm.s32 @!p0 $0x1BF5;
	p2 =	por !p2, p0  }
0x20: {  	[sflag:s8] =	ssyncset.s32 @!p0 $0xFFFFF086;
	s6 =	sadd.s32 @!p0 s3, s7;
	s7 =	simm.s32 @!p0 $0x108  }
0x21: {  	s3 =	sadd.s32 s3, s9;
	s6 =	sadd.s32 @!p0 $0x88, s6;
	s7 =	simm.s32 @p2 $0x1082  }
0x22: {  	[simem:s7], [sflag:s8] =	dma.local @!p0 [hbm:s6], $0xF7A  }
0x23: {  	s9 =	sor.u32 $0xD0000000, s2;
	s6 =	simm.s32 $0x108;
	_ =	swait.ge @!p0 [sflag:s8], $0x0  }
0x24: {  	s3 =	sadd.s32 $0x88, s3;
	s6 =	simm.s32 @!p1 $0x1082;
	[sflag:s4] =	ssyncset.s32 $0xFFFFF086  }
0x25: {  	[simem:s6], [sflag:s4] =	dma.local [hbm:s3], $0xF7A  }
0x26: {  	[smem:$0x3F9B] =	sst s1;
	(tag) =	ssettag s2;
	_ =	strace s9  }
0x27: {  	s1 =	sld [smem:$0x3FAB]  }
0x28: {  	s2 =	sld [smem:$0x3FAC]  }
0x29: {  	s4 =	sld [smem:$0x3FAE]  }
0x2a: {  	p0 =	seq.s32 s5, $0x0;
	s5 =	sld [smem:$0x3FAF]  }
0x2b: {  	s6 =	sld [smem:$0x3FB0]  }
0x2c: {  	s7 =	sld [smem:$0x3FB1]  }
0x2d: {  	s3 =	simm.s32 $0x108;
	s8 =	sld [smem:$0x3FB2]  }
0x2e: {  	s3 =	simm.s32 @!p0 $0x1082;
	s9 =	sld [smem:$0x3FB3]  }
0x2f: {  	lr =	sadd.s32 s0, s3;
	s0 =	sld [smem:$0x3FAA]  }
0x30: {  	s3 =	sld [smem:$0x3FAD]  }
0x31: {  	[smem:$0x3FB6] =	sst s10  }
0x32: {  	s10 =	sld [smem:$0x3FB4];
	_ =	sdelay $0x3  }
0x33: {  	p0 =	seq.s32 s10, $0x1;
	s10 =	sld [smem:$0x3FB6];
	_ =	sdelay $0x3  }
0x34: {  	[smem:$0x3FB6] =	sst s10  }
0x35: {  	s10 =	sld [smem:$0x3FB5];
	_ =	sdelay $0x3  }
0x36: {  	p1 =	seq.s32 s10, $0x1;
	s10 =	sld [smem:$0x3FB6];
	_ =	sdelay $0x3  }
0x37: {  	[smem:$0x3FB6] =	sst s10  }
0x38: {  	s10 =	sld [smem:$0x3FB7]  }
0x39: {  	_ = 	snop;
	(pc) =	sbr.ind lr, $3  }
0x3a: {  	_ = 	snop  }
0x3b: {  	_ = 	snop  }
0x3c: {  	p2 =	seq.s32 s10, $0x1;
	s10 =	sld [smem:$0x3FB6]  }
0x3d: {  	_ =	shalt  }
0x3e: {  	_ =	shalt  }
0x3f: {  	_ =	shalt  }
0x40: {  	_ =	shalt  }
0x41: {  	_ =	shalt  }
0x42: {  	_ =	shalt  }
0x43: {  	_ =	shalt  }
0x44: {  	_ =	shalt  }
0x45: {  	_ =	shalt  }
0x46: {  	_ =	shalt  }
0x47: {  	_ =	shalt  }
0x48: {  	_ =	shalt  }
0x49: {  	_ =	shalt  }
0x4a: {  	_ =	shalt  }
0x4b: {  	_ =	shalt  }
0x4c: {  	_ =	shalt  }
0x4d: {  	_ =	shalt  }
0x4e: {  	_ =	shalt  }
0x4f: {  	_ =	shalt  }
0x50: {  	_ =	shalt  }
0x51: {  	_ =	shalt  }
0x52: {  	_ =	shalt  }
0x53: {  	_ =	shalt  }
0x54: {  	_ =	shalt  }
0x55: {  	_ =	shalt  }
0x56: {  	_ =	shalt  }
0x57: {  	_ =	shalt  }
0x58: {  	_ =	shalt  }
0x59: {  	_ =	shalt  }
0x5a: {  	_ =	shalt  }
0x5b: {  	_ =	shalt  }
0x5c: {  	_ =	shalt  }
0x5d: {  	_ =	shalt  }
0x5e: {  	_ =	shalt  }
0x5f: {  	_ =	shalt  }
0x60: {  	_ =	shalt  }
0x61: {  	_ =	shalt  }
0x62: {  	_ =	shalt  }
0x63: {  	_ =	shalt  }
0x64: {  	_ =	shalt  }
0x65: {  	_ =	shalt  }
0x66: {  	_ =	shalt  }
0x67: {  	_ =	shalt  }
0x68: {  	_ =	shalt  }
0x69: {  	_ =	shalt  }
0x6a: {  	_ =	shalt  }
0x6b: {  	_ =	shalt  }
0x6c: {  	_ =	shalt  }
0x6d: {  	_ =	shalt  }
0x6e: {  	_ =	shalt  }
0x6f: {  	_ =	shalt  }
0x70: {  	_ =	shalt  }
0x71: {  	_ =	shalt  }
0x72: {  	_ =	shalt  }
0x73: {  	_ =	shalt  }
0x74: {  	_ =	shalt  }
0x75: {  	_ =	shalt  }
0x76: {  	_ =	shalt  }
0x77: {  	_ =	shalt  }
0x78: {  	_ =	shalt  }
0x79: {  	_ =	shalt  }
0x7a: {  	_ =	shalt  }
0x7b: {  	_ =	shalt  }
0x7c: {  	_ =	shalt  }
0x7d: {  	_ =	shalt  }
0x7e: {  	_ =	shalt  }
0x7f: {  	_ =	shalt  }
0x80: {  	_ =	shalt  }
0x81: {  	_ =	shalt  }
0x82: {  	_ =	shalt  }
0x83: {  	_ =	shalt  }
0x84: {  	_ =	shalt  }
0x85: {  	_ =	shalt  }
0x86: {  	_ =	shalt  }
0x87: {  	_ =	shalt  }
.Lfunc_end0:
.L_simem_size_0:
called_computation.3_lowered:
.L_overlay_start_0:
0x88: {  	s2 =	sld [smem:$0x3FD9]  }
0x89: {  	s3 =	sld [smem:$0x3FFE];
	_ =	sdelay $0x1  }
0x8a: {  	s1 =	srdreg.scid  }
0x8b: {  	s0 =	sand.u32 $0x1, s1  }
0x8c: {  	s14 =	sshll.u32 s0, $0xA;
	s2 =	sadd.s32 s3, s2  }
0x8d: {  	s2 =	sadd.s32 s2, s14  }
0x8e: {  	[smem:$0x3FC2] =	sst s2  }
0x8f: {  	_ = 	snop  }
0x90: {  	s2 =	sld [smem:$0x3FD0];
	_ =	sdelay $0x2  }
0x91: {  	s15 =	simm.s32 $0xD;
	s4 =	simm.s32 $0x10  }
0x92: {  	[smem:s4], [sflag:s15] =	dma.local [hbm:s2], $0x1  }
0x93: {  	_ =	swait.eq [sflag:s15], $0x1  }
0x94: {  	[sflag:s15] =	ssyncset.done $0x0  }
0x95: {  	s16 =	sld [smem:$0x11];
	[sflag:s15] =	ssyncadd.s32 $0xFFFFFFFF  }
0x96: {  	s17 =	sld [smem:$0x13];
	(tm) =	ssettm $0x1  }
0x97: {  	s18 =	sld [smem:$0x3FFB];
	_ =	sdelay $0x3  }
0x98: {  	_ =	strace s18  }
0x99: {  	s4 =	sld [smem:$0x3FFC];
	_ =	sdelay $0x3  }
0x9a: {  	_ =	strace s4  }
0x9b: {  	s4 =	sld [smem:$0x3FFD];
	_ =	sdelay $0x3  }
0x9c: {  	_ =	strace s4  }
0x9d: {  	_ =	strace $0x8FFFFFFF  }
0x9e: {  	s19 =	sld [smem:$0x3FDB];
	_ =	sdelay $0x1  }
0x9f: {  	s5 =	simm.s32 $_scs_section_size  }
0xa0: {  	s6 =	simm.s32 $_size__tile_overlayer_lowered;
	s7 =	simm.s32 $_tile_overlayer_lowered  }
0xa1: {  	s22 =	simm.s32 $0x1BFF;
	s21 =	sshll.u32 s7, $0x1;
	s4 =	sadd.s32 s5, s19  }
0xa2: {  	s8 =	simm.s32 $0x0;
	s20 =	sshll.u32 s6, $0x1;
	s6 =	sadd.s32 s21, s4  }
0xa3: {  	[timem:s8], [sflag:s22] =	dma.local [hbm:s6], s20  }
0xa4: {  	_ =	swait.ge [sflag:s22], s20  }
0xa5: {  	s5 =	ssub.s32 $0x0, s20;
	[sflag:s22] =	ssyncset.done $0x0  }
0xa6: {  	[sflag:s22] =	ssyncadd.s32 s5;
	_ =	sdelay $0x1  }
0xa7: {  	s23 =	simm.s32 $0x1B8B  }
0xa8: {  	_ =	swait.ge [sflag:s23], $0x1  }
0xa9: {  	[sflag:s23] =	ssyncset.done $0x0  }
0xaa: {  	s25 =	simm.s32 $0x1B8E;
	s24 =	sld [smem:$0x3FFE];
	[sflag:s23] =	ssyncadd.s32 $0xFFFFFFFF  }
0xab: {  	s26 =	simm.s32 $execute0_lowered;
	[smem:$0x3FD2] =	sst s25  }
0xac: {  	s6 =	sshll.u32 s26, $0x1;
	_ =	strace $0x80000055;
	[dreg:$0x1] =	wrdreg $0xFFFFFFFF  }
0xad: {  	s28 =	simm.s32 $_size_execute0_lowered;
	s4 =	sadd.s32 s4, s6;
	[dreg:$0x0] =	wrdreg $0x0  }
0xae: {  	s6 =	sshll.u32 s28, $0x1;
	[dreg:$0x2] =	wrdreg s4  }
0xaf: {  	[dreg:$0x3] =	wrdreg s6  }
0xb0: {  	[dreg:$0x4] =	wrdreg $0xC0  }
0xb1: {  	_ =	task [dreg:s8], $0x5FFFF  }
0xb2: {  	[dreg:$0x1] =	wrdreg $0xFFFFFFFF  }
0xb3: {  	[dreg:$0x0] =	wrdreg $0x60  }
0xb4: {  	[dreg:$0x2] =	wrdreg s24  }
0xb5: {  	[dreg:$0x3] =	wrdreg s17  }
0xb6: {  	[dreg:$0x4] =	wrdreg s16  }
0xb7: {  	[dreg:$0x5] =	wrdreg $0x9  }
0xb8: {  	_ =	task.clear_ibuf [dreg:s8], $0x6FFFF;
	_ =	strace $0x90000055  }
0xb9: {  	s29 =	simm.s32 $0x9;
	_ =	strace $0x80000057  }
0xba: {  	_ =	swait.ge [sflag:s29], $0x1  }
0xbb: {  	[sflag:s29] =	ssyncadd.s32 $0xFFFFFFFF  }
0xbc: {  	_ =	strace $0x90000057  }
0xbd: {  	_ =	sfence  }
0xbe: {  	s30 =	sld [smem:$0x0];
	_ =	sdelay $0x2  }
0xbf: {  	s31 =	sshll.u32 s1, $0xD;
	s1 =	sshrl.u32 s1, $0x2  }
0xc0: {  	s3 =	sand.u32 $0x4000, s31;
	s1 =	sadd.s32 s1, s30  }
0xc1: {  	s0 =	sor.u32 s3, s0;
	s1 =	sshll.u32 s1, $0x11  }
0xc2: {  	s0 =	sor.u32 s1, s0  }
0xc3: {  	s0 =	sadd.s32 $0x8F2B, s0  }
0xc4: {  	[sflag:s0] =	ssyncadd.remote.s32 $0x1  }
0xc5: {  	_ =	sfence.sel $0xFFFF  }
0xc6: {  	[dreg:$0x0] =	wrdreg $0xFFFFFFFF;
	(pc) =	sbr.abs _section_cstart, $3  }
0xc7: {  	[dreg:$0x1] =	wrdreg $0xFFFFFFFF  }
0xc8: {  	_ =	task.clear_ibuf [dreg:s8], $0x2FFFF;
	_ =	strace $0x9FFFFFFF  }
0xc9: {  	(tm) =	ssettm $0x7FFFFFFF  }
tec
execute0_lowered:
.L_overlay_start_1:
0x0: {  	(tag) =	ssettag $0x1  }
0x1: {  	s8 =	rddreg [dreg:$0x0]  }
0x2: {  	s2 =	rddreg [dreg:$0x1]  }
0x3: {  	s0 =	stileid.u32;
	s1 =	srdreg.scid  }
0x4: {  	s3 =	rddreg [dreg:$0x2];
	s9 =	simm.s32 $0x1;
	s10 =	simm.s32 $0x3  }
0x5: {  	s13 =	simm.s32 $0x0;
	s4 =	sand.u32 $0x1, s1;
	s5 =	sshll.u32 s0, $0x1  }
0x6: {  	s12 =	simm.s32 $0x0;
	s1 =	rddreg [dreg:$0x3];
	s6 =	sor.u32 s5, s4  }
0x7: {  	_ =	strace $0x80000056;
	s8 =	sadd.s32 $0x3E00, s8;
	s4 =	smul.u32 $0x320, s6  }
0x8: {  	s5 =	simm.s32 $0x1;
	p0 =	slt.u32 s6, $0x3;
	s6 =	simm.s32 $0x6400  }
.Ltmp0:
0x9: {  	s6 =	simm.s32 @!p0 $0x0;
	s7 =	ssub.s32 $0x6A40, s4;
	(pc) =	sbr.rel .LBB2_1-.Ltmp0, $4  }
0xa: {  	s9 =	simm.s32 @!p0 $0x0;
	p0 =	sne.s32 s7, s6;
	s7 =	simm.s32 $0x1  }
0xb: {  	[sflag:s5] =	ssyncpa.u1 $0x0;
	s6 =	simm.s32 $0x2;
	s7 =	simm.s32 @!p0 $0x0  }
0xc: {  	s11 =	smov.u32 s4;
	[sflag:s6] =	ssyncpa.u1 $0x0;
	s7 =	sadd.s32 s9, s7  }
0xd: {  	vm0 =	vmmov $0xffff;
	[sflag:s10] =	ssyncpa.u1 $0x0;
	s10 =	simm.s32 $0x0;
	s9 =	sadd.s32 $0x1, s7  }
.LBB2_4:
0xe: {  	v3 =	vand.u32 $0x1F, v3;
	v4 =	vand.u32 $0x1, v4;
	v5 =	vand.u32 $0x3F80, v5  }
0xf: {  	v4 =	vsel vm1, $0xFFFFFFFF, v4;
	v3 =	vmul.u32 $0x145000, v3;
	v5 =	vsel vm1, $0xFFFFFF80, v5  }
0x10: {  	v2 =	vmul.u32 $0x3400, v2;
	v6 =	vand.u32 $0xFFFFFC00, v5;
	v7 =	vand.u32 $0xFFFFFC00, v4  }
0x11: {  	v61 =	vand.u32 $0x380, v5;
	v1 =	vadd.s32 v1, v3;
	v62 =	vadd.s32 v6, v7  }
0x12: {  	v4 =	vand.u32 $0x7F, v4;
	v1 =	vadd.s32 v2, v1;
	v63 =	vor.u32 v61, v62  }
0x13: {  	v1 =	vsel vm1, $0xFE922C00, v1;
	v2 =	vor.u32 v4, v63  }
0x14: {  	v1 =	vadd.s32 v1, v2;
	_ =	sdelay $0x1  }
0x15: {  	(ifvalue) =	ssetifvalue $0x7FFFFFFF;
	s15 =	sadd.s32 $0x10, s15  }
0x16: {  	[tilespmem:s15], [sflag:$0x1] =	stream.indirect_vreg.gather [hbm4b:s8+s10], $0x1, v0, vm0, $0x4038;
	[tilespmem:$0xC80] =	vst v63  }
0x17: {  	(ifvalue) =	ssetifvalue $0x7FFFFFFF;
	s15 =	sadd.s32 $0x10, s15  }
0x18: {  	[tilespmem:s15], [sflag:$0x1] =	stream.indirect_vreg.gather [hbm4b:s8+s10], $0x1, v1, vm0, $0x4038;
	[tilespmem:$0xC80] =	vst v63  }
0x19: {  	_ =	swait.ge [sflag:s5], $0x320  }
0x1a: {  	s30 =	sshrl.u32 s13, $0x3;
	[sflag:s5] =	ssyncset.done $0x0  }
0x1b: {  	s31 =	sand.u32 $0x7, s13;
	s15 =	sadd.s32 s3, s30;
	[sflag:s5] =	ssyncadd.s32 $0xFFFFFCE0  }
0x1c: {  	[hbm4b:s15+s31] =	stream.linear.scatter [tilespmem:s14], [sflag:$0x3], $0x320, $0x38;
	[tilespmem:$0xC80] =	vst v63  }
.LBB2_5:
0x1d: {  	s15 =	sadd.s32 $0x6400, s11  }
0x1e: {  	p1 =	sgt.s32 s15, $0x6A3F  }
0x1f: {  	s15 =	smov.u32 @p1 s4;
	p1 =	sne.s32 s12, s9  }
.Ltmp1:
0x20: {  	p0 =	slt.u32 s12, $0x2;
	(pc) =	sbr.rel @!p1 .LBB2_6-.Ltmp1, $4  }
0x21: {  	s14 =	simm.s32 @!p0 $0x3  }
0x22: {  	_ =	swait.ge @!p0 [sflag:s14], $0x320  }
0x23: {  	s16 =	sadd.s32 $0x1, s12;
	s13 =	smov.u32 s11;
	[sflag:s14] =	ssyncset.done @!p0 $0x0  }
0x24: {  	s12 =	smov.u32 s16;
	s11 =	smov.u32 s15;
	[sflag:s14] =	ssyncadd.s32 @!p0 $0xFFFFFCE0  }
.LBB2_1:
0x25: {  	p0 =	sge.u32 s12, s7  }
0x26: {  	s14 =	sxor.u32 @!p0 $0x1, s12  }
0x27: {  	s14 =	smul.u32 @!p0 $0xC80, s14  }
0x28: {  	s31 =	sadd.s32 $0xFFFFFFFF, s12;
	s15 =	sshrl.u32 @!p0 s11, $0x3  }
0x29: {  	s16 =	sand.u32 @!p0 $0x7, s11;
	s15 =	sadd.s32 @!p0 s2, s15;
	s14 =	sshra.s32 @!p0 s14, $0x2  }
0x2a: {  	[tilespmem:s14], [sflag:$0x2] =	stream.linear.gather @!p0 [hbm4b:s15+s16], $0x320, $0x38;
	[tilespmem:$0xC80] =	vst v63  }
0x2b: {  	p0 =	sge.u32 s31, s7  }
.Ltmp2:
0x2c: {  	_ = 	snop;
	(pc) =	sbr.rel @p0 .LBB2_5-.Ltmp2, $1  }
0x2d: {  	_ =	sdelay $0x3  }
0x2e: {  	s14 =	sand.u32 $0x1, s12  }
0x2f: {  	_ =	swait.ge [sflag:s6], $0x320;
	p0 =	seq.s32 s14, $0x1;
	s14 =	simm.s32 $0x320  }
0x30: {  	[sflag:s6] =	ssyncset.done $0x0;
	s14 =	simm.s32 @!p0 $0x0  }
0x31: {  	[sflag:s6] =	ssyncadd.s32 $0xFFFFFCE0;
	(ifvalue) =	ssetifvalue $0x7FFFFFFF;
	v0 =	vld.msk [tilespmem:s14+$0x0 ss:$0x1], $0xffff;
	_ =	sdelay $0x4  }
0x32: {  	vm1 =	veq.s32 v0, $0x80000000  }
0x33: {  	v1 =	vand.u32 $0x7, v0;
	v2 =	vshrl.u32 v0, $0x3;
	v3 =	vshrl.u32 v0, $0x8  }
0x34: {  	s15 =	sadd.s32 $0x10, s14;
	v4 =	vshrl.u32 v0, $0xF;
	v0 =	vshrl.u32 v0, $0x9;
	v3 =	vand.u32 $0x7F, v3  }
0x35: {  	v5 =	vld.msk [tilespmem:s15+$0x0 ss:$0x1], $0xffff;
	v1 =	vmul.u32 $0x1595000, v1;
	v2 =	vand.u32 $0x1F, v2;
	v0 =	vand.u32 $0x3F80, v0  }
0x36: {  	v4 =	vand.u32 $0x1, v4;
	v2 =	vmul.u32 $0x145000, v2;
	v0 =	vsel vm1, $0xFFFFFF80, v0  }
0x37: {  	v4 =	vsel vm1, $0xFFFFFFFF, v4;
	v3 =	vmul.u32 $0x3400, v3;
	v6 =	vand.u32 $0xFFFFFC00, v0  }
0x38: {  	v7 =	vand.u32 $0xFFFFFC00, v4;
	v0 =	vand.u32 $0x380, v0;
	v1 =	vadd.s32 v1, v2  }
0x39: {  	v4 =	vand.u32 $0x7F, v4;
	v2 =	vadd.s32 v6, v7;
	v1 =	vadd.s32 v3, v1  }
0x3a: {  	v0 =	vor.u32 v0, v2;
	v2 =	vand.u32 $0x7, v5;
	v3 =	vshrl.u32 v5, $0x8  }
0x3b: {  	v1 =	vsel vm1, $0xFE922C00, v1;
	v0 =	vor.u32 v4, v0;
	vm1 =	veq.s32 v5, $0x80000000  }
0x3c: {  	v4 =	vshrl.u32 v5, $0xF;
	v3 =	vand.u32 $0x7F, v3;
	v2 =	vmul.u32 $0x1595000, v2  }
0x3d: {  	v0 =	vadd.s32 v1, v0;
	v1 =	vshrl.u32 v5, $0x3;
	v5 =	vshrl.u32 v5, $0x9  }
0x3e: {  	s15 =	sadd.s32 $0x10, s15;
	v4 =	vand.u32 $0x1, v4;
	v1 =	vand.u32 $0x1F, v1;
	v5 =	vand.u32 $0x3F80, v5  }
0x3f: {  	v6 =	vld.msk [tilespmem:s15+$0x0 ss:$0x1], $0xffff;
	v4 =	vsel vm1, $0xFFFFFFFF, v4;
	v1 =	vmul.u32 $0x145000, v1;
	v5 =	vsel vm1, $0xFFFFFF80, v5  }
0x40: {  	v3 =	vmul.u32 $0x3400, v3;
	v8 =	vand.u32 $0xFFFFFC00, v4;
	v7 =	vand.u32 $0xFFFFFC00, v5  }
0x41: {  	v1 =	vadd.s32 v2, v1;
	v2 =	vand.u32 $0x380, v5;
	v5 =	vadd.s32 v7, v8  }
0x42: {  	v4 =	vand.u32 $0x7F, v4;
	v1 =	vadd.s32 v3, v1;
	v2 =	vor.u32 v2, v5  }
0x43: {  	s14 =	sadd.s32 $0x640, s14;
	(ifvalue) =	ssetifvalue $0x7FFFFFFF;
	v1 =	vsel vm1, $0xFE922C00, v1;
	v2 =	vor.u32 v4, v2  }
0x44: {  	[tilespmem:s14], [sflag:$0x1] =	stream.indirect_vreg.gather [hbm4b:s8+s10], $0x1, v0, vm0, $0x4038;
	v5 =	vand.u32 $0x7, v6;
	v3 =	vshrl.u32 v6, $0x3;
	v0 =	vadd.s32 v1, v2;
	[tilespmem:$0xC80] =	vst v63  }
0x45: {  	vm1 =	veq.s32 v6, $0x80000000;
	v4 =	vshrl.u32 v6, $0xF;
	v1 =	vshrl.u32 v6, $0x8  }
0x46: {  	s16 =	simm.s32 $0x20;
	s17 =	sadd.s32 $0x10, s15;
	s15 =	smov.u32 s14;
	v2 =	vand.u32 $0x7F, v1;
	v1 =	vmul.u32 $0x1595000, v5;
	v5 =	vshrl.u32 v6, $0x9  }
.LBB2_3:
0x47: {  	v6 =	vld.msk [tilespmem:s17+$0x0 ss:$0x1], $0xffff;
	v3 =	vand.u32 $0x1F, v3;
	v4 =	vand.u32 $0x1, v4;
	v5 =	vand.u32 $0x3F80, v5  }
0x48: {  	s15 =	sadd.s32 $0x10, s15;
	s16 =	sadd.s32 $0x10, s16;
	v4 =	vsel vm1, $0xFFFFFFFF, v4;
	v3 =	vmul.u32 $0x145000, v3;
	v5 =	vsel vm1, $0xFFFFFF80, v5;
	(ifvalue) =	ssetifvalue $0x7FFFFFFF  }
0x49: {  	v2 =	vmul.u32 $0x3400, v2;
	v7 =	vand.u32 $0xFFFFFC00, v5;
	v8 =	vand.u32 $0xFFFFFC00, v4;
	[tilespmem:s15], [sflag:$0x1] =	stream.indirect_vreg.gather [hbm4b:s8+s10], $0x1, v0, vm0, $0x4038;
	[tilespmem:$0xC80] =	vst v63  }
0x4a: {  	p0 =	slt.u32 s16, $0x310;
	v0 =	vadd.s32 v1, v3;
	v1 =	vand.u32 $0x380, v5;
	v3 =	vadd.s32 v7, v8  }
.Ltmp3:
0x4b: {  	v4 =	vand.u32 $0x7F, v4;
	v0 =	vadd.s32 v2, v0;
	v1 =	vor.u32 v1, v3;
	(pc) =	sbr.rel @p0 .LBB2_3-.Ltmp3, $4  }
0x4c: {  	v0 =	vsel vm1, $0xFE922C00, v0;
	v1 =	vor.u32 v4, v1  }
0x4d: {  	vm1 =	veq.s32 v6, $0x80000000;
	v5 =	vand.u32 $0x7, v6;
	v0 =	vadd.s32 v0, v1  }
0x4e: {  	v3 =	vshrl.u32 v6, $0x3;
	v4 =	vshrl.u32 v6, $0xF;
	v1 =	vshrl.u32 v6, $0x8  }
0x4f: {  	s17 =	sadd.s32 $0x10, s17;
	v2 =	vand.u32 $0x7F, v1;
	v1 =	vmul.u32 $0x1595000, v5;
	v5 =	vshrl.u32 v6, $0x9  }
.Ltmp4:
0x50: {  	_ = 	snop;
	(pc) =	sbr.rel .LBB2_4-.Ltmp4, $1  }
0x51: {  	_ =	sdelay $0x3  }
.LBB2_6:
0x52: {  	_ =	sfence.sel $0x180000  }
0x53: {  	s2 =	simm.s32 $0x2;
	[bflag:$0x0] =	sbarrier.arrive $0xFFFF  }
0x54: {  	s30 =	simm.s32 $0x3;
	[sflag:s2] =	ssyncpa.u1 $0x1  }
0x55: {  	s31 =	simm.s32 $0x1;
	[sflag:s30] =	ssyncpa.u1 $0x1  }
0x56: {  	[sflag:s31] =	ssyncpa.u1 $0x1  }
0x57: {  	p0 =	sne.s32 s0, $0x0;
	_ =	strace $0x90000056  }
0x58: {  	s0 =	sadd.s32 @!p0 $0x100000, s1;
	[bflag:$0x2] =	sbarrier.arrive $0xFFFF  }
0x59: {  	[sflag:s0] =	ssyncadd.tile.s32 @!p0 $0x1;
	_ =	shalt  }
.Lfunc_end2:
_tile_overlayer_lowered:
.L_overlay_start_2:
0x5a: {  	(tag) =	ssettag $0x2  }
0x5b: {  	s0 =	rddreg [dreg:$0x0];
	s2 =	stileid.u32  }
0x5c: {  	s1 =	rddreg [dreg:$0x1];
	p0 =	sne.s32 s2, $0x0  }
0x5d: {  	s3 =	rddreg [dreg:$0x2];
	[bflag:$0x3] =	sbarrier.arrive $0xFFFF;
	s2 =	simm.s32 @!p0 $0x1C01  }
0x5e: {  	[timem:s3], [sflag:s2] =	dma.local @!p0 [hbm:s0], s1  }
0x5f: {  	s0 =	simm.s32 @!p0 $0x1  }
0x60: {  	_ =	swait.ge @!p0 [sflag:s0], s1  }
0x61: {  	s1 =	ssub.s32 @!p0 $0x0, s1;
	[sflag:s0] =	ssyncset.done @!p0 $0x0  }
0x62: {  	[sflag:s0] =	ssyncadd.s32 @!p0 s1  }
0x63: {  	[bflag:$0x3] =	sbarrier.arrive $0xFFFF  }
0x64: {  	_ =	shalt  }

// kernel: gather_offload_async_start.3
scs
__scs_entry_jumppad:
0x0: {  	(pc) =	sbr.rel $0x88, $3  }
0x1: {  	(tag) =	ssettag $0x0;
	lr =	simm.s32 $0x1  }
0x2: {  	[smem:$0x3F9B] =	sst lr;
	_ =	strace $0xD0000000  }
0x3: {  	_ = 	snop  }
0x4: {  	_ = 	snop  }
0x5: {  	_ = 	snop  }
0x6: {  	_ = 	snop  }
0x7: {  	_ = 	snop  }
__scs_overlays_trampoline_lowered:
0x8: {  	[smem:$0x3FAA] =	sst s0  }
0x9: {  	[smem:$0x3FAB] =	sst s1  }
0xa: {  	[smem:$0x3FAC] =	sst s2  }
0xb: {  	[smem:$0x3FAD] =	sst s3  }
0xc: {  	[smem:$0x3FAE] =	sst s4  }
0xd: {  	[smem:$0x3FAF] =	sst s5  }
0xe: {  	[smem:$0x3FB0] =	sst s6  }
0xf: {  	[smem:$0x3FB1] =	sst s7  }
0x10: {  	[smem:$0x3FB2] =	sst s8  }
0x11: {  	[smem:$0x3FB3] =	sst s9;
	s0 =	simm.s32 @!p0 $0x0  }
0x12: {  	s1 =	sld [smem:$0x3F99];
	s0 =	simm.s32 @p0 $0x1  }
0x13: {  	[smem:$0x3FB4] =	sst s0;
	s0 =	simm.s32 @!p1 $0x0  }
0x14: {  	s2 =	sld [smem:$0x3F98];
	s0 =	simm.s32 @p1 $0x1  }
0x15: {  	[smem:$0x3FB5] =	sst s0;
	s0 =	simm.s32 @!p2 $0x0  }
0x16: {  	s3 =	sld [smem:$0x3FDB];
	s0 =	simm.s32 @p2 $0x1  }
0x17: {  	s4 =	simm.s32 $0x1BF5;
	[smem:$0x3FB7] =	sst s0  }
0x18: {  	s0 =	sld [smem:$0x3F9A];
	_ =	swait.ge [sflag:s4], $0x0  }
0x19: {  	s7 =	sld [smem:$0x3F9B]  }
0x1a: {  	s8 =	sadd.s32 $0xFFFFE003, lr  }
0x1b: {  	s9 =	sadd.s32 $0xFFFFFEF7, lr;
	s5 =	simm.s32 $0xFFFFFFFF;
	p2 =	slt.u32 s8, $0xFFFFF086  }
0x1c: {  	p1 =	slt.u32 s9, $0xF7A;
	s5 =	simm.s32 @!p2 $0x0  }
0x1d: {  	s5 =	simm.s32 @p1 $0x1;
	p0 =	seq.s32 s7, s2  }
0x1e: {  	s7 =	smul.u32 @!p0 $0xF7A, s2;
	p2 =	seq.s32 @!p0 s5, $0x0  }
0x1f: {  	s9 =	smul.u32 $0xF7A, s1;
	s8 =	simm.s32 @!p0 $0x1BF5;
	p2 =	por !p2, p0  }
0x20: {  	[sflag:s8] =	ssyncset.s32 @!p0 $0xFFFFF086;
	s6 =	sadd.s32 @!p0 s3, s7;
	s7 =	simm.s32 @!p0 $0x108  }
0x21: {  	s3 =	sadd.s32 s3, s9;
	s6 =	sadd.s32 @!p0 $0x88, s6;
	s7 =	simm.s32 @p2 $0x1082  }
0x22: {  	[simem:s7], [sflag:s8] =	dma.local @!p0 [hbm:s6], $0xF7A  }
0x23: {  	s9 =	sor.u32 $0xD0000000, s2;
	s6 =	simm.s32 $0x108;
	_ =	swait.ge @!p0 [sflag:s8], $0x0  }
0x24: {  	s3 =	sadd.s32 $0x88, s3;
	s6 =	simm.s32 @!p1 $0x1082;
	[sflag:s4] =	ssyncset.s32 $0xFFFFF086  }
0x25: {  	[simem:s6], [sflag:s4] =	dma.local [hbm:s3], $0xF7A  }
0x26: {  	[smem:$0x3F9B] =	sst s1;
	(tag) =	ssettag s2;
	_ =	strace s9  }
0x27: {  	s1 =	sld [smem:$0x3FAB]  }
0x28: {  	s2 =	sld [smem:$0x3FAC]  }
0x29: {  	s4 =	sld [smem:$0x3FAE]  }
0x2a: {  	p0 =	seq.s32 s5, $0x0;
	s5 =	sld [smem:$0x3FAF]  }
0x2b: {  	s6 =	sld [smem:$0x3FB0]  }
0x2c: {  	s7 =	sld [smem:$0x3FB1]  }
0x2d: {  	s3 =	simm.s32 $0x108;
	s8 =	sld [smem:$0x3FB2]  }
0x2e: {  	s3 =	simm.s32 @!p0 $0x1082;
	s9 =	sld [smem:$0x3FB3]  }
0x2f: {  	lr =	sadd.s32 s0, s3;
	s0 =	sld [smem:$0x3FAA]  }
0x30: {  	s3 =	sld [smem:$0x3FAD]  }
0x31: {  	[smem:$0x3FB6] =	sst s10  }
0x32: {  	s10 =	sld [smem:$0x3FB4];
	_ =	sdelay $0x3  }
0x33: {  	p0 =	seq.s32 s10, $0x1;
	s10 =	sld [smem:$0x3FB6];
	_ =	sdelay $0x3  }
0x34: {  	[smem:$0x3FB6] =	sst s10  }
0x35: {  	s10 =	sld [smem:$0x3FB5];
	_ =	sdelay $0x3  }
0x36: {  	p1 =	seq.s32 s10, $0x1;
	s10 =	sld [smem:$0x3FB6];
	_ =	sdelay $0x3  }
0x37: {  	[smem:$0x3FB6] =	sst s10  }
0x38: {  	s10 =	sld [smem:$0x3FB7]  }
0x39: {  	_ = 	snop;
	(pc) =	sbr.ind lr, $3  }
0x3a: {  	_ = 	snop  }
0x3b: {  	_ = 	snop  }
0x3c: {  	p2 =	seq.s32 s10, $0x1;
	s10 =	sld [smem:$0x3FB6]  }
0x3d: {  	_ =	shalt  }
0x3e: {  	_ =	shalt  }
0x3f: {  	_ =	shalt  }
0x40: {  	_ =	shalt  }
0x41: {  	_ =	shalt  }
0x42: {  	_ =	shalt  }
0x43: {  	_ =	shalt  }
0x44: {  	_ =	shalt  }
0x45: {  	_ =	shalt  }
0x46: {  	_ =	shalt  }
0x47: {  	_ =	shalt  }
0x48: {  	_ =	shalt  }
0x49: {  	_ =	shalt  }
0x4a: {  	_ =	shalt  }
0x4b: {  	_ =	shalt  }
0x4c: {  	_ =	shalt  }
0x4d: {  	_ =	shalt  }
0x4e: {  	_ =	shalt  }
0x4f: {  	_ =	shalt  }
0x50: {  	_ =	shalt  }
0x51: {  	_ =	shalt  }
0x52: {  	_ =	shalt  }
0x53: {  	_ =	shalt  }
0x54: {  	_ =	shalt  }
0x55: {  	_ =	shalt  }
0x56: {  	_ =	shalt  }
0x57: {  	_ =	shalt  }
0x58: {  	_ =	shalt  }
0x59: {  	_ =	shalt  }
0x5a: {  	_ =	shalt  }
0x5b: {  	_ =	shalt  }
0x5c: {  	_ =	shalt  }
0x5d: {  	_ =	shalt  }
0x5e: {  	_ =	shalt  }
0x5f: {  	_ =	shalt  }
0x60: {  	_ =	shalt  }
0x61: {  	_ =	shalt  }
0x62: {  	_ =	shalt  }
0x63: {  	_ =	shalt  }
0x64: {  	_ =	shalt  }
0x65: {  	_ =	shalt  }
0x66: {  	_ =	shalt  }
0x67: {  	_ =	shalt  }
0x68: {  	_ =	shalt  }
0x69: {  	_ =	shalt  }
0x6a: {  	_ =	shalt  }
0x6b: {  	_ =	shalt  }
0x6c: {  	_ =	shalt  }
0x6d: {  	_ =	shalt  }
0x6e: {  	_ =	shalt  }
0x6f: {  	_ =	shalt  }
0x70: {  	_ =	shalt  }
0x71: {  	_ =	shalt  }
0x72: {  	_ =	shalt  }
0x73: {  	_ =	shalt  }
0x74: {  	_ =	shalt  }
0x75: {  	_ =	shalt  }
0x76: {  	_ =	shalt  }
0x77: {  	_ =	shalt  }
0x78: {  	_ =	shalt  }
0x79: {  	_ =	shalt  }
0x7a: {  	_ =	shalt  }
0x7b: {  	_ =	shalt  }
0x7c: {  	_ =	shalt  }
0x7d: {  	_ =	shalt  }
0x7e: {  	_ =	shalt  }
0x7f: {  	_ =	shalt  }
0x80: {  	_ =	shalt  }
0x81: {  	_ =	shalt  }
0x82: {  	_ =	shalt  }
0x83: {  	_ =	shalt  }
0x84: {  	_ =	shalt  }
0x85: {  	_ =	shalt  }
0x86: {  	_ =	shalt  }
0x87: {  	_ =	shalt  }
.Lfunc_end0:
.L_simem_size_0:
called_computation.4_lowered:
.L_overlay_start_0:
0x88: {  	s2 =	sld [smem:$0x3FD9]  }
0x89: {  	s3 =	sld [smem:$0x3FFE];
	_ =	sdelay $0x1  }
0x8a: {  	s1 =	srdreg.scid  }
0x8b: {  	s0 =	sand.u32 $0x1, s1  }
0x8c: {  	s14 =	sshll.u32 s0, $0xA;
	s2 =	sadd.s32 s3, s2  }
0x8d: {  	s2 =	sadd.s32 s2, s14  }
0x8e: {  	[smem:$0x3FC2] =	sst s2  }
0x8f: {  	_ = 	snop  }
0x90: {  	s2 =	sld [smem:$0x3FD0];
	_ =	sdelay $0x2  }
0x91: {  	s15 =	simm.s32 $0xD;
	s4 =	simm.s32 $0x10  }
0x92: {  	[smem:s4], [sflag:s15] =	dma.local [hbm:s2], $0x1  }
0x93: {  	_ =	swait.eq [sflag:s15], $0x1  }
0x94: {  	[sflag:s15] =	ssyncset.done $0x0  }
0x95: {  	[sflag:s15] =	ssyncadd.s32 $0xFFFFFFFF  }
0x96: {  	s16 =	sld [smem:$0x13];
	(tm) =	ssettm $0x1  }
0x97: {  	s17 =	sld [smem:$0x3FFB];
	_ =	sdelay $0x3  }
0x98: {  	_ =	strace s17  }
0x99: {  	s3 =	sld [smem:$0x3FFC];
	_ =	sdelay $0x3  }
0x9a: {  	_ =	strace s3  }
0x9b: {  	s3 =	sld [smem:$0x3FFD];
	_ =	sdelay $0x3  }
0x9c: {  	_ =	strace s3  }
0x9d: {  	_ =	strace $0x8FFFFFFF  }
0x9e: {  	s18 =	sld [smem:$0x3FDB];
	_ =	sdelay $0x1  }
0x9f: {  	s19 =	simm.s32 $_scs_section_size  }
0xa0: {  	s5 =	simm.s32 $_size__tile_overlayer_lowered;
	s6 =	simm.s32 $_tile_overlayer_lowered  }
0xa1: {  	s22 =	simm.s32 $0x1BFF;
	s21 =	sshll.u32 s6, $0x1;
	s3 =	sadd.s32 s19, s18  }
0xa2: {  	s7 =	simm.s32 $0x0;
	s20 =	sshll.u32 s5, $0x1;
	s5 =	sadd.s32 s21, s3  }
0xa3: {  	[timem:s7], [sflag:s22] =	dma.local [hbm:s5], s20  }
0xa4: {  	_ =	swait.ge [sflag:s22], s20  }
0xa5: {  	s4 =	ssub.s32 $0x0, s20;
	[sflag:s22] =	ssyncset.done $0x0  }
0xa6: {  	[sflag:s22] =	ssyncadd.s32 s4;
	_ =	sdelay $0x1  }
0xa7: {  	s23 =	simm.s32 $0x1B8B  }
0xa8: {  	_ =	swait.ge [sflag:s23], $0x1  }
0xa9: {  	[sflag:s23] =	ssyncset.done $0x0  }
0xaa: {  	s25 =	simm.s32 $0x1B8E;
	s24 =	sld [smem:$0x3FFE];
	[sflag:s23] =	ssyncadd.s32 $0xFFFFFFFF  }
0xab: {  	s26 =	simm.s32 $execute0_lowered;
	[smem:$0x3FD2] =	sst s25  }
0xac: {  	s5 =	sshll.u32 s26, $0x1;
	_ =	strace $0x80000058;
	[dreg:$0x1] =	wrdreg $0xFFFFFFFF  }
0xad: {  	s28 =	simm.s32 $_size_execute0_lowered;
	s3 =	sadd.s32 s3, s5;
	[dreg:$0x0] =	wrdreg $0x0  }
0xae: {  	s5 =	sshll.u32 s28, $0x1;
	[dreg:$0x2] =	wrdreg s3  }
0xaf: {  	[dreg:$0x3] =	wrdreg s5  }
0xb0: {  	[dreg:$0x4] =	wrdreg $0xC0  }
0xb1: {  	_ =	task [dreg:s7], $0x5FFFF  }
0xb2: {  	[dreg:$0x1] =	wrdreg $0xFFFFFFFF  }
0xb3: {  	[dreg:$0x0] =	wrdreg $0x60  }
0xb4: {  	[dreg:$0x2] =	wrdreg s24  }
0xb5: {  	[dreg:$0x3] =	wrdreg s16  }
0xb6: {  	[dreg:$0x4] =	wrdreg $0x9  }
0xb7: {  	_ =	task.clear_ibuf [dreg:s7], $0x5FFFF;
	_ =	strace $0x90000058  }
0xb8: {  	s29 =	simm.s32 $0x9;
	_ =	strace $0x8000005A  }
0xb9: {  	_ =	swait.ge [sflag:s29], $0x1  }
0xba: {  	[sflag:s29] =	ssyncadd.s32 $0xFFFFFFFF  }
0xbb: {  	_ =	strace $0x9000005A  }
0xbc: {  	_ =	sfence  }
0xbd: {  	s30 =	sld [smem:$0x0];
	_ =	sdelay $0x2  }
0xbe: {  	s31 =	sshll.u32 s1, $0xD;
	s1 =	sshrl.u32 s1, $0x2  }
0xbf: {  	s3 =	sand.u32 $0x4000, s31;
	s1 =	sadd.s32 s1, s30  }
0xc0: {  	s0 =	sor.u32 s3, s0;
	s1 =	sshll.u32 s1, $0x11  }
0xc1: {  	s0 =	sor.u32 s1, s0  }
0xc2: {  	s0 =	sadd.s32 $0x8F2B, s0  }
0xc3: {  	[sflag:s0] =	ssyncadd.remote.s32 $0x1  }
0xc4: {  	_ =	sfence.sel $0xFFFF  }
0xc5: {  	[dreg:$0x0] =	wrdreg $0xFFFFFFFF;
	(pc) =	sbr.abs _section_cstart, $3  }
0xc6: {  	[dreg:$0x1] =	wrdreg $0xFFFFFFFF  }
0xc7: {  	_ =	task.clear_ibuf [dreg:s7], $0x2FFFF;
	_ =	strace $0x9FFFFFFF  }
0xc8: {  	(tm) =	ssettm $0x7FFFFFFF  }
0xc9: {  	_ =	shalt  }
tec
execute0_lowered:
.L_overlay_start_1:
0x0: {  	(tag) =	ssettag $0x1  }
0x1: {  	s8 =	rddreg [dreg:$0x0];
	s0 =	stileid.u32  }
0x2: {  	s1 =	srdreg.scid;
	s2 =	rddreg [dreg:$0x1]  }
0x3: {  	s5 =	simm.s32 $0x1;
	s9 =	simm.s32 $0x1;
	s10 =	simm.s32 $0x3  }
0x4: {  	s13 =	simm.s32 $0x0;
	s3 =	sand.u32 $0x1, s1;
	s4 =	sshll.u32 s0, $0x1  }
0x5: {  	s12 =	simm.s32 $0x0;
	s1 =	rddreg [dreg:$0x2];
	s6 =	sor.u32 s4, s3  }
0x6: {  	_ =	strace $0x80000059;
	s3 =	sadd.s32 $0x1800, s8;
	s4 =	smul.u32 $0x190, s6  }
0x7: {  	[sflag:s5] =	ssyncpa.u1 $0x0;
	p0 =	slt.u32 s6, $0x3;
	s6 =	simm.s32 $0x3200  }
.Ltmp0:
0x8: {  	s6 =	simm.s32 @!p0 $0x0;
	s7 =	ssub.s32 $0x3520, s4;
	(pc) =	sbr.rel .LBB2_1-.Ltmp0, $4  }
0x9: {  	s9 =	simm.s32 @!p0 $0x0;
	p0 =	sne.s32 s7, s6;
	s7 =	simm.s32 $0x1  }
0xa: {  	s8 =	sadd.s32 $0x3600, s8;
	s6 =	simm.s32 $0x2;
	s7 =	simm.s32 @!p0 $0x0  }
0xb: {  	s11 =	smov.u32 s4;
	[sflag:s6] =	ssyncpa.u1 $0x0;
	s7 =	sadd.s32 s9, s7  }
0xc: {  	vm0 =	vmmov $0xffff;
	[sflag:s10] =	ssyncpa.u1 $0x0;
	s10 =	simm.s32 $0x0;
	s9 =	sadd.s32 $0x1, s7  }
.LBB2_4:
0xd: {  	v5 =	vshrl.u32 v1, $0x8;
	v6 =	vshll.u32 v1, $0x7  }
0xe: {  	v3 =	vor.u32 v4, v3;
	vm1 =	veq.s32 v1, $0x80000000;
	v58 =	vand.u32 $0x7, v1  }
0xf: {  	v1 =	vsel vm1, $0xFFFFFFFF, v58;
	v59 =	vand.u32 $0x7F, v5;
	v60 =	vand.u32 $0x7C00, v6  }
0x10: {  	v4 =	vsel vm1, $0xFFFFFFFF, v59;
	v5 =	vsel vm1, $0xFFFFFC00, v60;
	v61 =	vand.u32 $0xFFFFFC00, v1  }
0x11: {  	v1 =	vshll.u32 v1, $0x7;
	v5 =	vadd.s32 v61, v5;
	v62 =	vand.u32 $0xFFFFFC00, v4  }
0x12: {  	v2 =	vor.u32 v2, v3;
	v1 =	vand.u32 $0x380, v1;
	v63 =	vadd.s32 v62, v5  }
0x13: {  	v4 =	vand.u32 $0x7F, v4;
	v1 =	vor.u32 v1, v63  }
0x14: {  	v1 =	vor.u32 v4, v1  }
0x15: {  	[tilespmem:s16], [sflag:$0x1] =	stream.indirect_vreg.gather [hbm4b:s3+s10], $0x1, v0, vm0, $0x4038;
	[tilespmem:$0x640] =	vst v63  }
0x16: {  	(ifvalue) =	ssetifvalue $0x7FFFFFFF  }
0x17: {  	[tilespmem:s15], [sflag:$0x1] =	stream.indirect_vreg.gather [hbm4b:s3+s10], $0x1, v2, vm0, $0x4038;
	[tilespmem:$0x640] =	vst v63  }
0x18: {  	s29 =	sadd.s32 $0x10, s15;
	(ifvalue) =	ssetifvalue $0x7FFFFFFF  }
0x19: {  	[tilespmem:s29], [sflag:$0x1] =	stream.indirect_vreg.gather [hbm4b:s3+s10], $0x1, v1, vm0, $0x4038;
	[tilespmem:$0x640] =	vst v63  }
0x1a: {  	_ =	swait.ge [sflag:s5], $0x190  }
0x1b: {  	s30 =	sshrl.u32 s13, $0x3;
	[sflag:s5] =	ssyncset.done $0x0  }
0x1c: {  	s31 =	sand.u32 $0x7, s13;
	s15 =	sadd.s32 s2, s30;
	[sflag:s5] =	ssyncadd.s32 $0xFFFFFE70  }
0x1d: {  	[hbm4b:s15+s31] =	stream.linear.scatter [tilespmem:s14], [sflag:$0x3], $0x190, $0x38;
	[tilespmem:$0x640] =	vst v63  }
.LBB2_5:
0x1e: {  	s15 =	sadd.s32 $0x3200, s11  }
0x1f: {  	p1 =	sgt.s32 s15, $0x351F  }
0x20: {  	s15 =	smov.u32 @p1 s4;
	p1 =	sne.s32 s12, s9  }
.Ltmp1:
0x21: {  	p0 =	slt.u32 s12, $0x2;
	(pc) =	sbr.rel @!p1 .LBB2_6-.Ltmp1, $4  }
0x22: {  	s14 =	simm.s32 @!p0 $0x3  }
0x23: {  	_ =	swait.ge @!p0 [sflag:s14], $0x190  }
0x24: {  	s16 =	sadd.s32 $0x1, s12;
	s13 =	smov.u32 s11;
	[sflag:s14] =	ssyncset.done @!p0 $0x0  }
0x25: {  	s12 =	smov.u32 s16;
	s11 =	smov.u32 s15;
	[sflag:s14] =	ssyncadd.s32 @!p0 $0xFFFFFE70  }
.LBB2_1:
0x26: {  	p0 =	sge.u32 s12, s7  }
0x27: {  	s14 =	sxor.u32 @!p0 $0x1, s12  }
0x28: {  	s14 =	smul.u32 @!p0 $0x640, s14  }
0x29: {  	s31 =	sadd.s32 $0xFFFFFFFF, s12;
	s15 =	sshrl.u32 @!p0 s11, $0x3  }
0x2a: {  	s16 =	sand.u32 @!p0 $0x7, s11;
	s15 =	sadd.s32 @!p0 s8, s15;
	s14 =	sshra.s32 @!p0 s14, $0x2  }
0x2b: {  	[tilespmem:s14], [sflag:$0x2] =	stream.linear.gather @!p0 [hbm4b:s15+s16], $0x190, $0x38;
	[tilespmem:$0x640] =	vst v63  }
0x2c: {  	p0 =	sge.u32 s31, s7  }
.Ltmp2:
0x2d: {  	_ = 	snop;
	(pc) =	sbr.rel @p0 .LBB2_5-.Ltmp2, $1  }
0x2e: {  	_ =	sdelay $0x3  }
0x2f: {  	s14 =	sand.u32 $0x1, s12  }
0x30: {  	_ =	swait.ge [sflag:s6], $0x190;
	p0 =	seq.s32 s14, $0x1;
	s14 =	simm.s32 $0x190  }
0x31: {  	[sflag:s6] =	ssyncset.done $0x0;
	s14 =	simm.s32 @!p0 $0x0  }
0x32: {  	[sflag:s6] =	ssyncadd.s32 $0xFFFFFE70;
	(ifvalue) =	ssetifvalue $0x7FFFFFFF;
	v0 =	vld.msk [tilespmem:s14+$0x0 ss:$0x1], $0xffff;
	_ =	sdelay $0x3  }
0x33: {  	s15 =	sadd.s32 $0x10, s14  }
0x34: {  	v2 =	vld.msk [tilespmem:s15+$0x0 ss:$0x1], $0xffff;
	v1 =	vshrl.u32 v0, $0x8  }
0x35: {  	v3 =	vshll.u32 v0, $0x7;
	vm1 =	veq.s32 v0, $0x80000000;
	v0 =	vand.u32 $0x7, v0  }
0x36: {  	v0 =	vsel vm1, $0xFFFFFFFF, v0;
	v1 =	vand.u32 $0x7F, v1;
	v3 =	vand.u32 $0x7C00, v3  }
0x37: {  	v1 =	vsel vm1, $0xFFFFFFFF, v1;
	v3 =	vsel vm1, $0xFFFFFC00, v3;
	v4 =	vand.u32 $0xFFFFFC00, v0  }
0x38: {  	v0 =	vshll.u32 v0, $0x7;
	v3 =	vadd.s32 v4, v3;
	v4 =	vand.u32 $0xFFFFFC00, v1  }
0x39: {  	v5 =	vshll.u32 v2, $0x7;
	v0 =	vand.u32 $0x380, v0;
	v3 =	vadd.s32 v4, v3  }
0x3a: {  	vm1 =	veq.s32 v2, $0x80000000;
	v1 =	vand.u32 $0x7F, v1;
	v0 =	vor.u32 v0, v3  }
0x3b: {  	v4 =	vshrl.u32 v2, $0x8;
	v2 =	vand.u32 $0x7, v2;
	v0 =	vor.u32 v1, v0  }
0x3c: {  	s15 =	sadd.s32 $0x10, s15;
	v2 =	vsel vm1, $0xFFFFFFFF, v2;
	v3 =	vand.u32 $0x7C00, v5;
	v1 =	vand.u32 $0x7F, v4  }
0x3d: {  	s14 =	sadd.s32 $0x320, s14;
	v3 =	vsel vm1, $0xFFFFFC00, v3;
	v5 =	vand.u32 $0xFFFFFC00, v2;
	v4 =	vsel vm1, $0xFFFFFFFF, v1;
	v1 =	vld.msk [tilespmem:s15+$0x0 ss:$0x1], $0xffff  }
0x3e: {  	s17 =	simm.s32 $0x20;
	s16 =	smov.u32 s14;
	v6 =	vshll.u32 v2, $0x7;
	v3 =	vadd.s32 v5, v3;
	v5 =	vand.u32 $0xFFFFFC00, v4  }
0x3f: {  	s18 =	sadd.s32 $0x10, s15;
	(ifvalue) =	ssetifvalue $0x7FFFFFFF;
	s15 =	sadd.s32 $0x10, s14;
	v2 =	vand.u32 $0x7F, v4;
	v4 =	vand.u32 $0x380, v6;
	v3 =	vadd.s32 v5, v3  }
.LBB2_3:
0x40: {  	[tilespmem:s16], [sflag:$0x1] =	stream.indirect_vreg.gather [hbm4b:s3+s10], $0x1, v0, vm0, $0x4038;
	[tilespmem:$0x640] =	vst v63  }
0x41: {  	s17 =	sadd.s32 $0x10, s17  }
0x42: {  	v5 =	vshrl.u32 v1, $0x8;
	v6 =	vshll.u32 v1, $0x7;
	v3 =	vor.u32 v4, v3;
	v0 =	vmovc v1;
	v1 =	vld.msk [tilespmem:s18+$0x0 ss:$0x1], $0xffff;
	p0 =	slt.u32 s17, $0x180  }
.Ltmp3:
0x43: {  	s16 =	smov.u32 s15;
	vm1 =	veq.s32 v0, $0x80000000;
	v4 =	vand.u32 $0x7, v0;
	v0 =	vor.u32 v2, v3;
	(pc) =	sbr.rel @p0 .LBB2_3-.Ltmp3, $4  }
0x44: {  	v3 =	vand.u32 $0x7F, v5;
	v2 =	vsel vm1, $0xFFFFFFFF, v4;
	v4 =	vand.u32 $0x7C00, v6  }
0x45: {  	v3 =	vsel vm1, $0xFFFFFFFF, v3;
	v4 =	vsel vm1, $0xFFFFFC00, v4;
	v5 =	vand.u32 $0xFFFFFC00, v2  }
0x46: {  	v6 =	vshll.u32 v2, $0x7;
	v4 =	vadd.s32 v5, v4;
	v5 =	vand.u32 $0xFFFFFC00, v3  }
0x47: {  	s18 =	sadd.s32 $0x10, s18;
	s15 =	sadd.s32 $0x10, s15;
	v2 =	vand.u32 $0x7F, v3;
	v3 =	vadd.s32 v5, v4;
	v4 =	vand.u32 $0x380, v6;
	(ifvalue) =	ssetifvalue $0x7FFFFFFF  }
.Ltmp4:
0x48: {  	_ = 	snop;
	(pc) =	sbr.rel .LBB2_4-.Ltmp4, $1  }
0x49: {  	_ =	sdelay $0x3  }
.LBB2_6:
0x4a: {  	_ =	sfence.sel $0x180000  }
0x4b: {  	s2 =	simm.s32 $0x2;
	[bflag:$0x0] =	sbarrier.arrive $0xFFFF  }
0x4c: {  	s30 =	simm.s32 $0x3;
	[sflag:s2] =	ssyncpa.u1 $0x1  }
0x4d: {  	s31 =	simm.s32 $0x1;
	[sflag:s30] =	ssyncpa.u1 $0x1  }
0x4e: {  	[sflag:s31] =	ssyncpa.u1 $0x1  }
0x4f: {  	p0 =	sne.s32 s0, $0x0;
	_ =	strace $0x90000059  }
0x50: {  	s0 =	sadd.s32 @!p0 $0x100000, s1;
	[bflag:$0x2] =	sbarrier.arrive $0xFFFF  }
0x51: {  	[sflag:s0] =	ssyncadd.tile.s32 @!p0 $0x1;
	_ =	shalt  }
.Lfunc_end2:
_tile_overlayer_lowered:
.L_overlay_start_2:
0x52: {  	(tag) =	ssettag $0x2  }
0x53: {  	s0 =	rddreg [dreg:$0x0];
	s2 =	stileid.u32  }
0x54: {  	s1 =	rddreg [dreg:$0x1];
	p0 =	sne.s32 s2, $0x0  }
0x55: {  	s3 =	rddreg [dreg:$0x2];
	[bflag:$0x3] =	sbarrier.arrive $0xFFFF;
	s2 =	simm.s32 @!p0 $0x1C01  }
0x56: {  	[timem:s3], [sflag:s2] =	dma.local @!p0 [hbm:s0], s1  }
0x57: {  	s0 =	simm.s32 @!p0 $0x1  }
0x58: {  	_ =	swait.ge @!p0 [sflag:s0], s1  }
0x59: {  	s1 =	ssub.s32 @!p0 $0x0, s1;
	[sflag:s0] =	ssyncset.done @!p0 $0x0  }
0x5a: {  	[sflag:s0] =	ssyncadd.s32 @!p0 s1  }
0x5b: {  	[bflag:$0x3] =	sbarrier.arrive $0xFFFF  }
0x5c: {  	_ =	shalt  }

// kernel: gather_offload_async_start.4
scs
__scs_entry_jumppad:
0x0: {  	(pc) =	sbr.rel $0x88, $3  }
0x1: {  	(tag) =	ssettag $0x0;
	lr =	simm.s32 $0x1  }
0x2: {  	[smem:$0x3F9B] =	sst lr;
	_ =	strace $0xD0000000  }
0x3: {  	_ = 	snop  }
0x4: {  	_ = 	snop  }
0x5: {  	_ = 	snop  }
0x6: {  	_ = 	snop  }
0x7: {  	_ = 	snop  }
__scs_overlays_trampoline_lowered:
0x8: {  	[smem:$0x3FAA] =	sst s0  }
0x9: {  	[smem:$0x3FAB] =	sst s1  }
0xa: {  	[smem:$0x3FAC] =	sst s2  }
0xb: {  	[smem:$0x3FAD] =	sst s3  }
0xc: {  	[smem:$0x3FAE] =	sst s4  }
0xd: {  	[smem:$0x3FAF] =	sst s5  }
0xe: {  	[smem:$0x3FB0] =	sst s6  }
0xf: {  	[smem:$0x3FB1] =	sst s7  }
0x10: {  	[smem:$0x3FB2] =	sst s8  }
0x11: {  	[smem:$0x3FB3] =	sst s9;
	s0 =	simm.s32 @!p0 $0x0  }
0x12: {  	s1 =	sld [smem:$0x3F99];
	s0 =	simm.s32 @p0 $0x1  }
0x13: {  	[smem:$0x3FB4] =	sst s0;
	s0 =	simm.s32 @!p1 $0x0  }
0x14: {  	s2 =	sld [smem:$0x3F98];
	s0 =	simm.s32 @p1 $0x1  }
0x15: {  	[smem:$0x3FB5] =	sst s0;
	s0 =	simm.s32 @!p2 $0x0  }
0x16: {  	s3 =	sld [smem:$0x3FDB];
	s0 =	simm.s32 @p2 $0x1  }
0x17: {  	s4 =	simm.s32 $0x1BF5;
	[smem:$0x3FB7] =	sst s0  }
0x18: {  	s0 =	sld [smem:$0x3F9A];
	_ =	swait.ge [sflag:s4], $0x0  }
0x19: {  	s7 =	sld [smem:$0x3F9B]  }
0x1a: {  	s8 =	sadd.s32 $0xFFFFE003, lr  }
0x1b: {  	s9 =	sadd.s32 $0xFFFFFEF7, lr;
	s5 =	simm.s32 $0xFFFFFFFF;
	p2 =	slt.u32 s8, $0xFFFFF086  }
0x1c: {  	p1 =	slt.u32 s9, $0xF7A;
	s5 =	simm.s32 @!p2 $0x0  }
0x1d: {  	s5 =	simm.s32 @p1 $0x1;
	p0 =	seq.s32 s7, s2  }
0x1e: {  	s7 =	smul.u32 @!p0 $0xF7A, s2;
	p2 =	seq.s32 @!p0 s5, $0x0  }
0x1f: {  	s9 =	smul.u32 $0xF7A, s1;
	s8 =	simm.s32 @!p0 $0x1BF5;
	p2 =	por !p2, p0  }
0x20: {  	[sflag:s8] =	ssyncset.s32 @!p0 $0xFFFFF086;
	s6 =	sadd.s32 @!p0 s3, s7;
	s7 =	simm.s32 @!p0 $0x108  }
0x21: {  	s3 =	sadd.s32 s3, s9;
	s6 =	sadd.s32 @!p0 $0x88, s6;
	s7 =	simm.s32 @p2 $0x1082  }
0x22: {  	[simem:s7], [sflag:s8] =	dma.local @!p0 [hbm:s6], $0xF7A  }
0x23: {  	s9 =	sor.u32 $0xD0000000, s2;
	s6 =	simm.s32 $0x108;
	_ =	swait.ge @!p0 [sflag:s8], $0x0  }
0x24: {  	s3 =	sadd.s32 $0x88, s3;
	s6 =	simm.s32 @!p1 $0x1082;
	[sflag:s4] =	ssyncset.s32 $0xFFFFF086  }
0x25: {  	[simem:s6], [sflag:s4] =	dma.local [hbm:s3], $0xF7A  }
0x26: {  	[smem:$0x3F9B] =	sst s1;
	(tag) =	ssettag s2;
	_ =	strace s9  }
0x27: {  	s1 =	sld [smem:$0x3FAB]  }
0x28: {  	s2 =	sld [smem:$0x3FAC]  }
0x29: {  	s4 =	sld [smem:$0x3FAE]  }
0x2a: {  	p0 =	seq.s32 s5, $0x0;
	s5 =	sld [smem:$0x3FAF]  }
0x2b: {  	s6 =	sld [smem:$0x3FB0]  }
0x2c: {  	s7 =	sld [smem:$0x3FB1]  }
0x2d: {  	s3 =	simm.s32 $0x108;
	s8 =	sld [smem:$0x3FB2]  }
0x2e: {  	s3 =	simm.s32 @!p0 $0x1082;
	s9 =	sld [smem:$0x3FB3]  }
0x2f: {  	lr =	sadd.s32 s0, s3;
	s0 =	sld [smem:$0x3FAA]  }
0x30: {  	s3 =	sld [smem:$0x3FAD]  }
0x31: {  	[smem:$0x3FB6] =	sst s10  }
0x32: {  	s10 =	sld [smem:$0x3FB4];
	_ =	sdelay $0x3  }
0x33: {  	p0 =	seq.s32 s10, $0x1;
	s10 =	sld [smem:$0x3FB6];
	_ =	sdelay $0x3  }
0x34: {  	[smem:$0x3FB6] =	sst s10  }
0x35: {  	s10 =	sld [smem:$0x3FB5];
	_ =	sdelay $0x3  }
0x36: {  	p1 =	seq.s32 s10, $0x1;
	s10 =	sld [smem:$0x3FB6];
	_ =	sdelay $0x3  }
0x37: {  	[smem:$0x3FB6] =	sst s10  }
0x38: {  	s10 =	sld [smem:$0x3FB7]  }
0x39: {  	_ = 	snop;
	(pc) =	sbr.ind lr, $3  }
0x3a: {  	_ = 	snop  }
0x3b: {  	_ = 	snop  }
0x3c: {  	p2 =	seq.s32 s10, $0x1;
	s10 =	sld [smem:$0x3FB6]  }
0x3d: {  	_ =	shalt  }
0x3e: {  	_ =	shalt  }
0x3f: {  	_ =	shalt  }
0x40: {  	_ =	shalt  }
0x41: {  	_ =	shalt  }
0x42: {  	_ =	shalt  }
0x43: {  	_ =	shalt  }
0x44: {  	_ =	shalt  }
0x45: {  	_ =	shalt  }
0x46: {  	_ =	shalt  }
0x47: {  	_ =	shalt  }
0x48: {  	_ =	shalt  }
0x49: {  	_ =	shalt  }
0x4a: {  	_ =	shalt  }
0x4b: {  	_ =	shalt  }
0x4c: {  	_ =	shalt  }
0x4d: {  	_ =	shalt  }
0x4e: {  	_ =	shalt  }
0x4f: {  	_ =	shalt  }
0x50: {  	_ =	shalt  }
0x51: {  	_ =	shalt  }
0x52: {  	_ =	shalt  }
0x53: {  	_ =	shalt  }
0x54: {  	_ =	shalt  }
0x55: {  	_ =	shalt  }
0x56: {  	_ =	shalt  }
0x57: {  	_ =	shalt  }
0x58: {  	_ =	shalt  }
0x59: {  	_ =	shalt  }
0x5a: {  	_ =	shalt  }
0x5b: {  	_ =	shalt  }
0x5c: {  	_ =	shalt  }
0x5d: {  	_ =	shalt  }
0x5e: {  	_ =	shalt  }
0x5f: {  	_ =	shalt  }
0x60: {  	_ =	shalt  }
0x61: {  	_ =	shalt  }
0x62: {  	_ =	shalt  }
0x63: {  	_ =	shalt  }
0x64: {  	_ =	shalt  }
0x65: {  	_ =	shalt  }
0x66: {  	_ =	shalt  }
0x67: {  	_ =	shalt  }
0x68: {  	_ =	shalt  }
0x69: {  	_ =	shalt  }
0x6a: {  	_ =	shalt  }
0x6b: {  	_ =	shalt  }
0x6c: {  	_ =	shalt  }
0x6d: {  	_ =	shalt  }
0x6e: {  	_ =	shalt  }
0x6f: {  	_ =	shalt  }
0x70: {  	_ =	shalt  }
0x71: {  	_ =	shalt  }
0x72: {  	_ =	shalt  }
0x73: {  	_ =	shalt  }
0x74: {  	_ =	shalt  }
0x75: {  	_ =	shalt  }
0x76: {  	_ =	shalt  }
0x77: {  	_ =	shalt  }
0x78: {  	_ =	shalt  }
0x79: {  	_ =	shalt  }
0x7a: {  	_ =	shalt  }
0x7b: {  	_ =	shalt  }
0x7c: {  	_ =	shalt  }
0x7d: {  	_ =	shalt  }
0x7e: {  	_ =	shalt  }
0x7f: {  	_ =	shalt  }
0x80: {  	_ =	shalt  }
0x81: {  	_ =	shalt  }
0x82: {  	_ =	shalt  }
0x83: {  	_ =	shalt  }
0x84: {  	_ =	shalt  }
0x85: {  	_ =	shalt  }
0x86: {  	_ =	shalt  }
0x87: {  	_ =	shalt  }
.Lfunc_end0:
.L_simem_size_0:
called_computation.5_lowered:
.L_overlay_start_0:
0x88: {  	s2 =	sld [smem:$0x3FD9]  }
0x89: {  	s3 =	sld [smem:$0x3FFE];
	_ =	sdelay $0x1  }
0x8a: {  	s1 =	srdreg.scid  }
0x8b: {  	s0 =	sand.u32 $0x1, s1  }
0x8c: {  	s15 =	sshll.u32 s0, $0xA;
	s2 =	sadd.s32 s3, s2  }
0x8d: {  	s2 =	sadd.s32 s2, s15  }
0x8e: {  	[smem:$0x3FC2] =	sst s2  }
0x8f: {  	_ = 	snop  }
0x90: {  	s2 =	sld [smem:$0x3FD0];
	_ =	sdelay $0x2  }
0x91: {  	s16 =	simm.s32 $0xD;
	s4 =	simm.s32 $0x10  }
0x92: {  	[smem:s4], [sflag:s16] =	dma.local [hbm:s2], $0x1  }
0x93: {  	_ =	swait.eq [sflag:s16], $0x1  }
0x94: {  	[sflag:s16] =	ssyncset.done $0x0  }
0x95: {  	[sflag:s16] =	ssyncadd.s32 $0xFFFFFFFF  }
0x96: {  	s17 =	sld [smem:$0x13];
	(tm) =	ssettm $0x1  }
0x97: {  	s18 =	sld [smem:$0x3FFB];
	_ =	sdelay $0x3  }
0x98: {  	_ =	strace s18  }
0x99: {  	s2 =	sld [smem:$0x3FFC];
	_ =	sdelay $0x3  }
0x9a: {  	_ =	strace s2  }
0x9b: {  	s2 =	sld [smem:$0x3FFD];
	_ =	sdelay $0x3  }
0x9c: {  	_ =	strace s2  }
0x9d: {  	_ =	strace $0x8FFFFFFF  }
0x9e: {  	s19 =	sld [smem:$0x3FDB];
	_ =	sdelay $0x1  }
0x9f: {  	s20 =	simm.s32 $_scs_section_size  }
0xa0: {  	s5 =	simm.s32 $_size__tile_overlayer_lowered;
	s6 =	simm.s32 $_tile_overlayer_lowered  }
0xa1: {  	s7 =	simm.s32 $0x1BFF;
	s21 =	sshll.u32 s6, $0x1;
	s4 =	sadd.s32 s20, s19  }
0xa2: {  	s22 =	simm.s32 $0x0;
	s5 =	sshll.u32 s5, $0x1;
	s6 =	sadd.s32 s21, s4  }
0xa3: {  	[timem:s22], [sflag:s7] =	dma.local [hbm:s6], s5  }
0xa4: {  	_ =	swait.ge [sflag:s7], s5  }
0xa5: {  	s5 =	ssub.s32 $0x0, s5;
	[sflag:s7] =	ssyncset.done $0x0  }
0xa6: {  	[sflag:s7] =	ssyncadd.s32 s5;
	_ =	sdelay $0x1  }
0xa7: {  	s23 =	simm.s32 $0x1B8B  }
0xa8: {  	_ =	swait.ge [sflag:s23], $0x1  }
0xa9: {  	[sflag:s23] =	ssyncset.done $0x0  }
0xaa: {  	[sflag:s23] =	ssyncadd.s32 $0xFFFFFFFF  }
0xab: {  	s5 =	sld [smem:$0x0]  }
0xac: {  	s6 =	sand.u32 $0xFFFFFFFE, s1  }
0xad: {  	p0 =	sne.s32 s1, s6  }
0xae: {  	s6 =	sshll.u32 @p0 s6, $0xE  }
0xaf: {  	s6 =	sadd.s32 @p0 $0x11B8D, s6;
	s7 =	sshll.u32 @p0 s5, $0x11  }
0xb0: {  	s6 =	sor.u32 @p0 s7, s6  }
0xb1: {  	[sflag:s6] =	ssyncadd.remote.s32 @p0 $0x1;
	_ =	sdelay $0x1  }
0xb2: {  	s6 =	simm.s32 @p0 $0x1B8D  }
0xb3: {  	_ =	swait.eq @p0 [sflag:s6], $0x1  }
0xb4: {  	[sflag:s6] =	ssyncadd.s32 @p0 $0xFFFFFFFF  }
0xb5: {  	s7 =	sshll.u32 @!p0 s1, $0xE  }
0xb6: {  	s7 =	sor.u32 @!p0 $0x4000, s7;
	s6 =	simm.s32 @!p0 $0x1B8D  }
0xb7: {  	s5 =	sshll.u32 @!p0 s5, $0x11;
	s7 =	sadd.s32 @!p0 $0x11B8D, s7;
	_ =	swait.eq @!p0 [sflag:s6], $0x1  }
0xb8: {  	s5 =	sor.u32 @!p0 s5, s7;
	[sflag:s6] =	ssyncadd.s32 @!p0 $0xFFFFFFFF  }
0xb9: {  	s25 =	simm.s32 $0x1B8E;
	s24 =	sld [smem:$0x3FFE];
	[sflag:s5] =	ssyncadd.remote.s32 @!p0 $0x1  }
0xba: {  	s26 =	simm.s32 $execute0_lowered;
	[smem:$0x3FD2] =	sst s25  }
0xbb: {  	s6 =	sshll.u32 s26, $0x1;
	_ =	strace $0x80000049;
	[dreg:$0x1] =	wrdreg $0xFFFFFFFF  }
0xbc: {  	s28 =	simm.s32 $_size_execute0_lowered;
	s4 =	sadd.s32 s4, s6;
	[dreg:$0x0] =	wrdreg $0x0  }
0xbd: {  	s6 =	sshll.u32 s28, $0x1;
	[dreg:$0x2] =	wrdreg s4  }
0xbe: {  	[dreg:$0x3] =	wrdreg s6  }
0xbf: {  	[dreg:$0x4] =	wrdreg $0xC0  }
0xc0: {  	_ =	task [dreg:s22], $0x5FFFF  }
0xc1: {  	[dreg:$0x1] =	wrdreg $0xFFFFFFFF  }
0xc2: {  	[dreg:$0x0] =	wrdreg $0x60  }
0xc3: {  	[dreg:$0x2] =	wrdreg s17  }
0xc4: {  	[dreg:$0x3] =	wrdreg s24  }
0xc5: {  	[dreg:$0x4] =	wrdreg $0xB  }
0xc6: {  	_ =	task.clear_ibuf [dreg:s22], $0x5FFFF;
	_ =	strace $0x90000049  }
0xc7: {  	s29 =	simm.s32 $0xB;
	_ =	strace $0x8000004B  }
0xc8: {  	_ =	swait.ge [sflag:s29], $0x1  }
0xc9: {  	[sflag:s29] =	ssyncadd.s32 $0xFFFFFFFF  }
0xca: {  	_ =	strace $0x9000004B  }
0xcb: {  	_ =	sfence  }
0xcc: {  	s30 =	sld [smem:$0x0];
	_ =	sdelay $0x2  }
0xcd: {  	s31 =	sshll.u32 s1, $0xD;
	s1 =	sshrl.u32 s1, $0x2  }
0xce: {  	s4 =	sand.u32 $0x4000, s31;
	s1 =	sadd.s32 s1, s30  }
0xcf: {  	s0 =	sor.u32 s4, s0;
	s1 =	sshll.u32 s1, $0x11  }
0xd0: {  	s0 =	sor.u32 s1, s0  }
0xd1: {  	s0 =	sadd.s32 $0x8F2B, s0  }
0xd2: {  	[sflag:s0] =	ssyncadd.remote.s32 $0x1  }
0xd3: {  	_ =	sfence.sel $0xFFFF  }
0xd4: {  	[dreg:$0x0] =	wrdreg $0xFFFFFFFF;
	(pc) =	sbr.abs _section_cstart, $3  }
0xd5: {  	[dreg:$0x1] =	wrdreg $0xFFFFFFFF  }
0xd6: {  	_ =	task.clear_ibuf [dreg:s22], $0x2FFFF;
	_ =	strace $0x9FFFFFFF  }
0xd7: {  	(tm) =	ssettm $0x7FFFFFFF  }
tec
execute0_lowered:
.L_overlay_start_1:
0x0: {  	(tag) =	ssettag $0x1  }
0x1: {  	s1 =	srdreg.scid;
	s2 =	rddreg [dreg:$0x0]  }
0x2: {  	s0 =	stileid.u32;
	s8 =	rddreg [dreg:$0x1]  }
0x3: {  	s5 =	simm.s32 $0x1;
	s9 =	simm.s32 $0x1;
	s1 =	sshll.u32 s1, $0x5  }
0x4: {  	s10 =	simm.s32 $0x3;
	s3 =	sshll.u32 s0, $0x6;
	s4 =	sand.u32 $0x20, s1  }
0x5: {  	s13 =	simm.s32 $0x0;
	s12 =	simm.s32 $0x0;
	s3 =	sor.u32 s3, s4  }
0x6: {  	s1 =	rddreg [dreg:$0x2];
	_ =	strace $0x8000004A;
	s7 =	ssub.s32 $0x640, s3  }
.Ltmp0:
0x7: {  	s4 =	sadd.s32 $0x2400, s8;
	s6 =	sand.u32 $0x3E0, s7;
	(pc) =	sbr.rel .LBB2_1-.Ltmp0, $4  }
0x8: {  	[sflag:s5] =	ssyncpa.u1 $0x0;
	s8 =	sadd.s32 $0x3600, s8;
	p0 =	sne.s32 s6, $0x0  }
0x9: {  	s7 =	sshrl.u32 s7, $0xA;
	s6 =	simm.s32 $0x2;
	s9 =	simm.s32 @!p0 $0x0  }
0xa: {  	s11 =	smov.u32 s3;
	[sflag:s6] =	ssyncpa.u1 $0x0;
	s7 =	sadd.s32 s9, s7  }
0xb: {  	vm0 =	vmmov $0xffff;
	[sflag:s10] =	ssyncpa.u1 $0x0;
	s10 =	simm.s32 $0x0;
	s9 =	sadd.s32 $0x1, s7  }
.LBB2_5:
0xc: {  	s15 =	sadd.s32 $0x400, s11  }
0xd: {  	p1 =	sgt.s32 s15, $0x63F  }
0xe: {  	s15 =	smov.u32 @p1 s3;
	p1 =	sne.s32 s12, s9  }
.Ltmp1:
0xf: {  	p0 =	slt.u32 s12, $0x2;
	(pc) =	sbr.rel @!p1 .LBB2_6-.Ltmp1, $4  }
0x10: {  	s14 =	simm.s32 @!p0 $0x3  }
0x11: {  	_ =	swait.ge @!p0 [sflag:s14], $0x20  }
0x12: {  	s16 =	sadd.s32 $0x1, s12;
	s13 =	smov.u32 s11;
	[sflag:s14] =	ssyncset.done @!p0 $0x0  }
0x13: {  	s12 =	smov.u32 s16;
	s11 =	smov.u32 s15;
	[sflag:s14] =	ssyncadd.s32 @!p0 $0xFFFFFFE0  }
.LBB2_1:
0x14: {  	p0 =	sge.u32 s12, s7  }
0x15: {  	s14 =	sxor.u32 @!p0 $0xFFFFFFFF, s12  }
0x16: {  	s31 =	sadd.s32 $0xFFFFFFFF, s12;
	s15 =	sshrl.u32 @!p0 s11, $0x3;
	s14 =	sshll.u32 @!p0 s14, $0x5  }
0x17: {  	s16 =	sand.u32 @!p0 $0x7, s11;
	s15 =	sadd.s32 @!p0 s4, s15;
	s14 =	sand.u32 @!p0 $0x20, s14  }
0x18: {  	[tilespmem:s14], [sflag:$0x2] =	stream.linear.gather @!p0 [hbm4b:s15+s16], $0x20, $0x38;
	[tilespmem:$0x80] =	vst v63  }
0x19: {  	p0 =	sge.u32 s31, s7  }
.Ltmp2:
0x1a: {  	_ = 	snop;
	(pc) =	sbr.rel @p0 .LBB2_5-.Ltmp2, $1  }
0x1b: {  	_ =	sdelay $0x3  }
0x1c: {  	_ =	swait.ge [sflag:s6], $0x20;
	s14 =	sshll.u32 s12, $0x5;
	s16 =	simm.s32 $0x0  }
0x1d: {  	p0 =	por $0x1, $0x1;
	[sflag:s6] =	ssyncset.done $0x0;
	s15 =	sand.u32 $0x20, s14  }
0x1e: {  	[sflag:s6] =	ssyncadd.s32 $0xFFFFFFE0;
	(ifvalue) =	ssetifvalue $0x7FFFFFFF;
	s14 =	sor.u32 $0x40, s15  }
.LBB2_3:
0x1f: {  	s17 =	sadd.s32 s16, s15  }
0x20: {  	v0 =	vld.msk [tilespmem:s17+$0x0 ss:$0x1], $0xffff;
	_ =	sdelay $0x4  }
0x21: {  	vm1 =	veq.s32 v0, $0x80000000;
	v1 =	vshrl.u32 v0, $0x3  }
0x22: {  	v2 =	vshrl.u32 v0, $0x4;
	v0 =	vshll.u32 v0, $0x11;
	v1 =	vand.u32 $0x1, v1  }
0x23: {  	v2 =	vand.u32 $0xFFFF, v2;
	v0 =	vand.u32 $0xE0000, v0;
	v1 =	vsel vm1, $0xFFFFFFFF, v1  }
0x24: {  	v2 =	vsel vm1, $0xFFFFFFFF, v2;
	v0 =	vsel vm1, $0xFFFE0000, v0;
	v3 =	vand.u32 $0xFFFE0000, v1  }
0x25: {  	v4 =	vand.u32 $0x7F, v2;
	v2 =	vshll.u32 v2, $0x1;
	v0 =	vadd.s32 v0, v3  }
0x26: {  	v1 =	vshll.u32 v1, $0x7;
	v2 =	vand.u32 $0xFFFFFF00, v2;
	v0 =	vor.u32 v4, v0  }
0x27: {  	v1 =	vand.u32 $0x80, v1;
	v0 =	vadd.s32 v2, v0  }
0x28: {  	p1 =	por p0, p0;
	v0 =	vor.u32 v1, v0  }
.Ltmp3:
0x29: {  	_ = 	snop;
	(pc) =	sbr.rel @p1 .LBB2_3-.Ltmp3, $4  }
0x2a: {  	_ = 	snop  }
0x2b: {  	s31 =	sadd.s32 s16, s14  }
0x2c: {  	s16 =	simm.s32 $0x10;
	p0 =	por $0x0, $0x0;
	(ifvalue) =	ssetifvalue $0x7FFFFFFF  }
0x2d: {  	[tilespmem:s31], [sflag:$0x1] =	stream.indirect_vreg.gather [hbm4b:s2+s10], $0x1, v0, vm0, $0x4038;
	[tilespmem:$0x80] =	vst v63  }
.Ltmp4:
0x2e: {  	(pc) =	sbr.rel .LBB2_5-.Ltmp4, $4  }
0x2f: {  	_ =	swait.ge [sflag:s5], $0x20  }
0x30: {  	s15 =	sshrl.u32 s13, $0x3;
	[sflag:s5] =	ssyncset.done $0x0  }
0x31: {  	s31 =	sand.u32 $0x7, s13;
	s15 =	sadd.s32 s8, s15;
	[sflag:s5] =	ssyncadd.s32 $0xFFFFFFE0  }
0x32: {  	[hbm4b:s15+s31] =	stream.linear.scatter [tilespmem:s14], [sflag:$0x3], $0x20, $0x38;
	[tilespmem:$0x80] =	vst v63  }
.LBB2_6:
0x33: {  	_ =	sfence.sel $0x180000  }
0x34: {  	s2 =	simm.s32 $0x2;
	[bflag:$0x0] =	sbarrier.arrive $0xFFFF  }
0x35: {  	s30 =	simm.s32 $0x3;
	[sflag:s2] =	ssyncpa.u1 $0x1  }
0x36: {  	s31 =	simm.s32 $0x1;
	[sflag:s30] =	ssyncpa.u1 $0x1  }
0x37: {  	[sflag:s31] =	ssyncpa.u1 $0x1  }
0x38: {  	p0 =	sne.s32 s0, $0x0;
	_ =	strace $0x9000004A  }
0x39: {  	s0 =	sadd.s32 @!p0 $0x100000, s1;
	[bflag:$0x2] =	sbarrier.arrive $0xFFFF  }
0x3a: {  	[sflag:s0] =	ssyncadd.tile.s32 @!p0 $0x1;
	_ =	shalt  }
.Lfunc_end2:
_tile_overlayer_lowered:
.L_overlay_start_2:
0x3b: {  	(tag) =	ssettag $0x2  }
0x3c: {  	s0 =	rddreg [dreg:$0x0];
	s2 =	stileid.u32  }
0x3d: {  	s1 =	rddreg [dreg:$0x1];
	p0 =	sne.s32 s2, $0x0  }
0x3e: {  	s3 =	rddreg [dreg:$0x2];
	[bflag:$0x3] =	sbarrier.arrive $0xFFFF;
	s2 =	simm.s32 @!p0 $0x1C01  }
0x3f: {  	[timem:s3], [sflag:s2] =	dma.local @!p0 [hbm:s0], s1  }
0x40: {  	s0 =	simm.s32 @!p0 $0x1  }
0x41: {  	_ =	swait.ge @!p0 [sflag:s0], s1  }
0x42: {  	s1 =	ssub.s32 @!p0 $0x0, s1;
	[sflag:s0] =	ssyncset.done @!p0 $0x0  }
0x43: {  	[sflag:s0] =	ssyncadd.s32 @!p0 s1  }
0x44: {  	[bflag:$0x3] =	sbarrier.arrive $0xFFFF  }
0x45: {  	_ =	shalt  }

// kernel: gather_offload_async_start.5
scs
__scs_entry_jumppad:
0x0: {  	(pc) =	sbr.rel $0x88, $3  }
0x1: {  	(tag) =	ssettag $0x0;
	lr =	simm.s32 $0x1  }
0x2: {  	[smem:$0x3F9B] =	sst lr;
	_ =	strace $0xD0000000  }
0x3: {  	_ = 	snop  }
0x4: {  	_ = 	snop  }
0x5: {  	_ = 	snop  }
0x6: {  	_ = 	snop  }
0x7: {  	_ = 	snop  }
__scs_overlays_trampoline_lowered:
0x8: {  	[smem:$0x3FAA] =	sst s0  }
0x9: {  	[smem:$0x3FAB] =	sst s1  }
0xa: {  	[smem:$0x3FAC] =	sst s2  }
0xb: {  	[smem:$0x3FAD] =	sst s3  }
0xc: {  	[smem:$0x3FAE] =	sst s4  }
0xd: {  	[smem:$0x3FAF] =	sst s5  }
0xe: {  	[smem:$0x3FB0] =	sst s6  }
0xf: {  	[smem:$0x3FB1] =	sst s7  }
0x10: {  	[smem:$0x3FB2] =	sst s8  }
0x11: {  	[smem:$0x3FB3] =	sst s9;
	s0 =	simm.s32 @!p0 $0x0  }
0x12: {  	s1 =	sld [smem:$0x3F99];
	s0 =	simm.s32 @p0 $0x1  }
0x13: {  	[smem:$0x3FB4] =	sst s0;
	s0 =	simm.s32 @!p1 $0x0  }
0x14: {  	s2 =	sld [smem:$0x3F98];
	s0 =	simm.s32 @p1 $0x1  }
0x15: {  	[smem:$0x3FB5] =	sst s0;
	s0 =	simm.s32 @!p2 $0x0  }
0x16: {  	s3 =	sld [smem:$0x3FDB];
	s0 =	simm.s32 @p2 $0x1  }
0x17: {  	s4 =	simm.s32 $0x1BF5;
	[smem:$0x3FB7] =	sst s0  }
0x18: {  	s0 =	sld [smem:$0x3F9A];
	_ =	swait.ge [sflag:s4], $0x0  }
0x19: {  	s7 =	sld [smem:$0x3F9B]  }
0x1a: {  	s8 =	sadd.s32 $0xFFFFE003, lr  }
0x1b: {  	s9 =	sadd.s32 $0xFFFFFEF7, lr;
	s5 =	simm.s32 $0xFFFFFFFF;
	p2 =	slt.u32 s8, $0xFFFFF086  }
0x1c: {  	p1 =	slt.u32 s9, $0xF7A;
	s5 =	simm.s32 @!p2 $0x0  }
0x1d: {  	s5 =	simm.s32 @p1 $0x1;
	p0 =	seq.s32 s7, s2  }
0x1e: {  	s7 =	smul.u32 @!p0 $0xF7A, s2;
	p2 =	seq.s32 @!p0 s5, $0x0  }
0x1f: {  	s9 =	smul.u32 $0xF7A, s1;
	s8 =	simm.s32 @!p0 $0x1BF5;
	p2 =	por !p2, p0  }
0x20: {  	[sflag:s8] =	ssyncset.s32 @!p0 $0xFFFFF086;
	s6 =	sadd.s32 @!p0 s3, s7;
	s7 =	simm.s32 @!p0 $0x108  }
0x21: {  	s3 =	sadd.s32 s3, s9;
	s6 =	sadd.s32 @!p0 $0x88, s6;
	s7 =	simm.s32 @p2 $0x1082  }
0x22: {  	[simem:s7], [sflag:s8] =	dma.local @!p0 [hbm:s6], $0xF7A  }
0x23: {  	s9 =	sor.u32 $0xD0000000, s2;
	s6 =	simm.s32 $0x108;
	_ =	swait.ge @!p0 [sflag:s8], $0x0  }
0x24: {  	s3 =	sadd.s32 $0x88, s3;
	s6 =	simm.s32 @!p1 $0x1082;
	[sflag:s4] =	ssyncset.s32 $0xFFFFF086  }
0x25: {  	[simem:s6], [sflag:s4] =	dma.local [hbm:s3], $0xF7A  }
0x26: {  	[smem:$0x3F9B] =	sst s1;
	(tag) =	ssettag s2;
	_ =	strace s9  }
0x27: {  	s1 =	sld [smem:$0x3FAB]  }
0x28: {  	s2 =	sld [smem:$0x3FAC]  }
0x29: {  	s4 =	sld [smem:$0x3FAE]  }
0x2a: {  	p0 =	seq.s32 s5, $0x0;
	s5 =	sld [smem:$0x3FAF]  }
0x2b: {  	s6 =	sld [smem:$0x3FB0]  }
0x2c: {  	s7 =	sld [smem:$0x3FB1]  }
0x2d: {  	s3 =	simm.s32 $0x108;
	s8 =	sld [smem:$0x3FB2]  }
0x2e: {  	s3 =	simm.s32 @!p0 $0x1082;
	s9 =	sld [smem:$0x3FB3]  }
0x2f: {  	lr =	sadd.s32 s0, s3;
	s0 =	sld [smem:$0x3FAA]  }
0x30: {  	s3 =	sld [smem:$0x3FAD]  }
0x31: {  	[smem:$0x3FB6] =	sst s10  }
0x32: {  	s10 =	sld [smem:$0x3FB4];
	_ =	sdelay $0x3  }
0x33: {  	p0 =	seq.s32 s10, $0x1;
	s10 =	sld [smem:$0x3FB6];
	_ =	sdelay $0x3  }
0x34: {  	[smem:$0x3FB6] =	sst s10  }
0x35: {  	s10 =	sld [smem:$0x3FB5];
	_ =	sdelay $0x3  }
0x36: {  	p1 =	seq.s32 s10, $0x1;
	s10 =	sld [smem:$0x3FB6];
	_ =	sdelay $0x3  }
0x37: {  	[smem:$0x3FB6] =	sst s10  }
0x38: {  	s10 =	sld [smem:$0x3FB7]  }
0x39: {  	_ = 	snop;
	(pc) =	sbr.ind lr, $3  }
0x3a: {  	_ = 	snop  }
0x3b: {  	_ = 	snop  }
0x3c: {  	p2 =	seq.s32 s10, $0x1;
	s10 =	sld [smem:$0x3FB6]  }
0x3d: {  	_ =	shalt  }
0x3e: {  	_ =	shalt  }
0x3f: {  	_ =	shalt  }
0x40: {  	_ =	shalt  }
0x41: {  	_ =	shalt  }
0x42: {  	_ =	shalt  }
0x43: {  	_ =	shalt  }
0x44: {  	_ =	shalt  }
0x45: {  	_ =	shalt  }
0x46: {  	_ =	shalt  }
0x47: {  	_ =	shalt  }
0x48: {  	_ =	shalt  }
0x49: {  	_ =	shalt  }
0x4a: {  	_ =	shalt  }
0x4b: {  	_ =	shalt  }
0x4c: {  	_ =	shalt  }
0x4d: {  	_ =	shalt  }
0x4e: {  	_ =	shalt  }
0x4f: {  	_ =	shalt  }
0x50: {  	_ =	shalt  }
0x51: {  	_ =	shalt  }
0x52: {  	_ =	shalt  }
0x53: {  	_ =	shalt  }
0x54: {  	_ =	shalt  }
0x55: {  	_ =	shalt  }
0x56: {  	_ =	shalt  }
0x57: {  	_ =	shalt  }
0x58: {  	_ =	shalt  }
0x59: {  	_ =	shalt  }
0x5a: {  	_ =	shalt  }
0x5b: {  	_ =	shalt  }
0x5c: {  	_ =	shalt  }
0x5d: {  	_ =	shalt  }
0x5e: {  	_ =	shalt  }
0x5f: {  	_ =	shalt  }
0x60: {  	_ =	shalt  }
0x61: {  	_ =	shalt  }
0x62: {  	_ =	shalt  }
0x63: {  	_ =	shalt  }
0x64: {  	_ =	shalt  }
0x65: {  	_ =	shalt  }
0x66: {  	_ =	shalt  }
0x67: {  	_ =	shalt  }
0x68: {  	_ =	shalt  }
0x69: {  	_ =	shalt  }
0x6a: {  	_ =	shalt  }
0x6b: {  	_ =	shalt  }
0x6c: {  	_ =	shalt  }
0x6d: {  	_ =	shalt  }
0x6e: {  	_ =	shalt  }
0x6f: {  	_ =	shalt  }
0x70: {  	_ =	shalt  }
0x71: {  	_ =	shalt  }
0x72: {  	_ =	shalt  }
0x73: {  	_ =	shalt  }
0x74: {  	_ =	shalt  }
0x75: {  	_ =	shalt  }
0x76: {  	_ =	shalt  }
0x77: {  	_ =	shalt  }
0x78: {  	_ =	shalt  }
0x79: {  	_ =	shalt  }
0x7a: {  	_ =	shalt  }
0x7b: {  	_ =	shalt  }
0x7c: {  	_ =	shalt  }
0x7d: {  	_ =	shalt  }
0x7e: {  	_ =	shalt  }
0x7f: {  	_ =	shalt  }
0x80: {  	_ =	shalt  }
0x81: {  	_ =	shalt  }
0x82: {  	_ =	shalt  }
0x83: {  	_ =	shalt  }
0x84: {  	_ =	shalt  }
0x85: {  	_ =	shalt  }
0x86: {  	_ =	shalt  }
0x87: {  	_ =	shalt  }
.Lfunc_end0:
.L_simem_size_0:
called_computation.6_lowered:
.L_overlay_start_0:
0x88: {  	s2 =	sld [smem:$0x3FD9]  }
0x89: {  	s3 =	sld [smem:$0x3FFE];
	_ =	sdelay $0x1  }
0x8a: {  	s1 =	srdreg.scid  }
0x8b: {  	s0 =	sand.u32 $0x1, s1  }
0x8c: {  	s14 =	sshll.u32 s0, $0xA;
	s2 =	sadd.s32 s3, s2  }
0x8d: {  	s2 =	sadd.s32 s2, s14  }
0x8e: {  	[smem:$0x3FC2] =	sst s2  }
0x8f: {  	_ = 	snop  }
0x90: {  	s2 =	sld [smem:$0x3FD0];
	_ =	sdelay $0x2  }
0x91: {  	s15 =	simm.s32 $0xD;
	s4 =	simm.s32 $0x10  }
0x92: {  	[smem:s4], [sflag:s15] =	dma.local [hbm:s2], $0x1  }
0x93: {  	_ =	swait.eq [sflag:s15], $0x1  }
0x94: {  	[sflag:s15] =	ssyncset.done $0x0  }
0x95: {  	[sflag:s15] =	ssyncadd.s32 $0xFFFFFFFF  }
0x96: {  	s16 =	sld [smem:$0x15];
	(tm) =	ssettm $0x1  }
0x97: {  	s17 =	sld [smem:$0x3FFB];
	_ =	sdelay $0x3  }
0x98: {  	_ =	strace s17  }
0x99: {  	s3 =	sld [smem:$0x3FFC];
	_ =	sdelay $0x3  }
0x9a: {  	_ =	strace s3  }
0x9b: {  	s3 =	sld [smem:$0x3FFD];
	_ =	sdelay $0x3  }
0x9c: {  	_ =	strace s3  }
0x9d: {  	_ =	strace $0x8FFFFFFF  }
0x9e: {  	s18 =	sld [smem:$0x3FDB];
	_ =	sdelay $0x1  }
0x9f: {  	s19 =	simm.s32 $_scs_section_size  }
0xa0: {  	s5 =	simm.s32 $_size__tile_overlayer_lowered;
	s6 =	simm.s32 $_tile_overlayer_lowered  }
0xa1: {  	s22 =	simm.s32 $0x1BFF;
	s21 =	sshll.u32 s6, $0x1;
	s3 =	sadd.s32 s19, s18  }
0xa2: {  	s7 =	simm.s32 $0x0;
	s20 =	sshll.u32 s5, $0x1;
	s5 =	sadd.s32 s21, s3  }
0xa3: {  	[timem:s7], [sflag:s22] =	dma.local [hbm:s5], s20  }
0xa4: {  	_ =	swait.ge [sflag:s22], s20  }
0xa5: {  	s4 =	ssub.s32 $0x0, s20;
	[sflag:s22] =	ssyncset.done $0x0  }
0xa6: {  	[sflag:s22] =	ssyncadd.s32 s4;
	_ =	sdelay $0x1  }
0xa7: {  	s23 =	simm.s32 $0x1B8B  }
0xa8: {  	_ =	swait.ge [sflag:s23], $0x1  }
0xa9: {  	[sflag:s23] =	ssyncset.done $0x0  }
0xaa: {  	s25 =	simm.s32 $0x1B8E;
	s24 =	sld [smem:$0x3FFE];
	[sflag:s23] =	ssyncadd.s32 $0xFFFFFFFF  }
0xab: {  	s26 =	simm.s32 $execute0_lowered;
	[smem:$0x3FD2] =	sst s25  }
0xac: {  	s5 =	sshll.u32 s26, $0x1;
	_ =	strace $0x80000046;
	[dreg:$0x1] =	wrdreg $0xFFFFFFFF  }
0xad: {  	s28 =	simm.s32 $_size_execute0_lowered;
	s3 =	sadd.s32 s3, s5;
	[dreg:$0x0] =	wrdreg $0x0  }
0xae: {  	s5 =	sshll.u32 s28, $0x1;
	[dreg:$0x2] =	wrdreg s3  }
0xaf: {  	[dreg:$0x3] =	wrdreg s5  }
0xb0: {  	[dreg:$0x4] =	wrdreg $0xC0  }
0xb1: {  	_ =	task [dreg:s7], $0x5FFFF  }
0xb2: {  	[dreg:$0x1] =	wrdreg $0xFFFFFFFF  }
0xb3: {  	[dreg:$0x0] =	wrdreg $0x60  }
0xb4: {  	[dreg:$0x2] =	wrdreg s16  }
0xb5: {  	[dreg:$0x3] =	wrdreg s24  }
0xb6: {  	[dreg:$0x4] =	wrdreg $0xC  }
0xb7: {  	_ =	task.clear_ibuf [dreg:s7], $0x5FFFF;
	_ =	strace $0x90000046  }
0xb8: {  	s29 =	simm.s32 $0xC;
	_ =	strace $0x80000048  }
0xb9: {  	_ =	swait.ge [sflag:s29], $0x1  }
0xba: {  	[sflag:s29] =	ssyncadd.s32 $0xFFFFFFFF  }
0xbb: {  	_ =	strace $0x90000048  }
0xbc: {  	_ =	sfence  }
0xbd: {  	s30 =	sld [smem:$0x0];
	_ =	sdelay $0x2  }
0xbe: {  	s31 =	sshll.u32 s1, $0xD;
	s1 =	sshrl.u32 s1, $0x2  }
0xbf: {  	s3 =	sand.u32 $0x4000, s31;
	s1 =	sadd.s32 s1, s30  }
0xc0: {  	s0 =	sor.u32 s3, s0;
	s1 =	sshll.u32 s1, $0x11  }
0xc1: {  	s0 =	sor.u32 s1, s0  }
0xc2: {  	s0 =	sadd.s32 $0x8F2B, s0  }
0xc3: {  	[sflag:s0] =	ssyncadd.remote.s32 $0x1  }
0xc4: {  	_ =	sfence.sel $0xFFFF  }
0xc5: {  	[dreg:$0x0] =	wrdreg $0xFFFFFFFF;
	(pc) =	sbr.abs _section_cstart, $3  }
0xc6: {  	[dreg:$0x1] =	wrdreg $0xFFFFFFFF  }
0xc7: {  	_ =	task.clear_ibuf [dreg:s7], $0x2FFFF;
	_ =	strace $0x9FFFFFFF  }
0xc8: {  	(tm) =	ssettm $0x7FFFFFFF  }
0xc9: {  	_ =	shalt  }
tec
execute0_lowered:
.L_overlay_start_1:
0x0: {  	(tag) =	ssettag $0x1  }
0x1: {  	s1 =	srdreg.scid;
	s2 =	rddreg [dreg:$0x0]  }
0x2: {  	s0 =	stileid.u32;
	s8 =	rddreg [dreg:$0x1]  }
0x3: {  	s5 =	simm.s32 $0x1;
	s9 =	simm.s32 $0x1;
	s1 =	sshll.u32 s1, $0x5  }
0x4: {  	s10 =	simm.s32 $0x3;
	s3 =	sshll.u32 s0, $0x6;
	s4 =	sand.u32 $0x20, s1  }
0x5: {  	s13 =	simm.s32 $0x0;
	s12 =	simm.s32 $0x0;
	s3 =	sor.u32 s3, s4  }
0x6: {  	s1 =	rddreg [dreg:$0x2];
	_ =	strace $0x80000047;
	s7 =	ssub.s32 $0x640, s3  }
.Ltmp0:
0x7: {  	s4 =	sadd.s32 $0x2200, s8;
	s6 =	sand.u32 $0x3E0, s7;
	(pc) =	sbr.rel .LBB2_1-.Ltmp0, $4  }
0x8: {  	[sflag:s5] =	ssyncpa.u1 $0x0;
	s8 =	sadd.s32 $0x2600, s8;
	p0 =	sne.s32 s6, $0x0  }
0x9: {  	s7 =	sshrl.u32 s7, $0xA;
	s6 =	simm.s32 $0x2;
	s9 =	simm.s32 @!p0 $0x0  }
0xa: {  	s11 =	smov.u32 s3;
	[sflag:s6] =	ssyncpa.u1 $0x0;
	s7 =	sadd.s32 s9, s7  }
0xb: {  	vm0 =	vmmov $0xffff;
	[sflag:s10] =	ssyncpa.u1 $0x0;
	s10 =	simm.s32 $0x0;
	s9 =	sadd.s32 $0x1, s7  }
.LBB2_5:
0xc: {  	s15 =	sadd.s32 $0x400, s11  }
0xd: {  	p1 =	sgt.s32 s15, $0x63F  }
0xe: {  	s15 =	smov.u32 @p1 s3;
	p1 =	sne.s32 s12, s9  }
.Ltmp1:
0xf: {  	p0 =	slt.u32 s12, $0x2;
	(pc) =	sbr.rel @!p1 .LBB2_6-.Ltmp1, $4  }
0x10: {  	s14 =	simm.s32 @!p0 $0x3  }
0x11: {  	_ =	swait.ge @!p0 [sflag:s14], $0x20  }
0x12: {  	s16 =	sadd.s32 $0x1, s12;
	s13 =	smov.u32 s11;
	[sflag:s14] =	ssyncset.done @!p0 $0x0  }
0x13: {  	s12 =	smov.u32 s16;
	s11 =	smov.u32 s15;
	[sflag:s14] =	ssyncadd.s32 @!p0 $0xFFFFFFE0  }
.LBB2_1:
0x14: {  	p0 =	sge.u32 s12, s7  }
0x15: {  	s14 =	sxor.u32 @!p0 $0xFFFFFFFF, s12  }
0x16: {  	s31 =	sadd.s32 $0xFFFFFFFF, s12;
	s15 =	sshrl.u32 @!p0 s11, $0x3;
	s14 =	sshll.u32 @!p0 s14, $0x5  }
0x17: {  	s16 =	sand.u32 @!p0 $0x7, s11;
	s15 =	sadd.s32 @!p0 s4, s15;
	s14 =	sand.u32 @!p0 $0x20, s14  }
0x18: {  	[tilespmem:s14], [sflag:$0x2] =	stream.linear.gather @!p0 [hbm4b:s15+s16], $0x20, $0x38;
	[tilespmem:$0x80] =	vst v63  }
0x19: {  	p0 =	sge.u32 s31, s7  }
.Ltmp2:
0x1a: {  	_ = 	snop;
	(pc) =	sbr.rel @p0 .LBB2_5-.Ltmp2, $1  }
0x1b: {  	_ =	sdelay $0x3  }
0x1c: {  	_ =	swait.ge [sflag:s6], $0x20;
	s14 =	sshll.u32 s12, $0x5;
	s16 =	simm.s32 $0x0  }
0x1d: {  	p0 =	por $0x1, $0x1;
	[sflag:s6] =	ssyncset.done $0x0;
	s15 =	sand.u32 $0x20, s14  }
0x1e: {  	[sflag:s6] =	ssyncadd.s32 $0xFFFFFFE0;
	(ifvalue) =	ssetifvalue $0x7FFFFFFF;
	s14 =	sor.u32 $0x40, s15  }
.LBB2_3:
0x1f: {  	s17 =	sadd.s32 s16, s15  }
0x20: {  	v0 =	vld.msk [tilespmem:s17+$0x0 ss:$0x1], $0xffff;
	_ =	sdelay $0x4  }
0x21: {  	vm1 =	veq.s32 v0, $0x80000000;
	v1 =	vshrl.u32 v0, $0x3  }
0x22: {  	v2 =	vshrl.u32 v0, $0x4;
	v0 =	vshll.u32 v0, $0x11;
	v1 =	vand.u32 $0x1, v1  }
0x23: {  	v2 =	vand.u32 $0xFFFF, v2;
	v0 =	vand.u32 $0xE0000, v0;
	v1 =	vsel vm1, $0xFFFFFFFF, v1  }
0x24: {  	v2 =	vsel vm1, $0xFFFFFFFF, v2;
	v0 =	vsel vm1, $0xFFFE0000, v0;
	v3 =	vand.u32 $0xFFFE0000, v1  }
0x25: {  	v4 =	vand.u32 $0x7F, v2;
	v2 =	vshll.u32 v2, $0x1;
	v0 =	vadd.s32 v0, v3  }
0x26: {  	v1 =	vshll.u32 v1, $0x7;
	v2 =	vand.u32 $0xFFFFFF00, v2;
	v0 =	vor.u32 v4, v0  }
0x27: {  	v1 =	vand.u32 $0x80, v1;
	v0 =	vadd.s32 v2, v0  }
0x28: {  	p1 =	por p0, p0;
	v0 =	vor.u32 v1, v0  }
.Ltmp3:
0x29: {  	_ = 	snop;
	(pc) =	sbr.rel @p1 .LBB2_3-.Ltmp3, $4  }
0x2a: {  	_ = 	snop  }
0x2b: {  	s31 =	sadd.s32 s16, s14  }
0x2c: {  	s16 =	simm.s32 $0x10;
	p0 =	por $0x0, $0x0;
	(ifvalue) =	ssetifvalue $0x7FFFFFFF  }
0x2d: {  	[tilespmem:s31], [sflag:$0x1] =	stream.indirect_vreg.gather [hbm4b:s2+s10], $0x1, v0, vm0, $0x4038;
	[tilespmem:$0x80] =	vst v63  }
.Ltmp4:
0x2e: {  	(pc) =	sbr.rel .LBB2_5-.Ltmp4, $4  }
0x2f: {  	_ =	swait.ge [sflag:s5], $0x20  }
0x30: {  	s15 =	sshrl.u32 s13, $0x3;
	[sflag:s5] =	ssyncset.done $0x0  }
0x31: {  	s31 =	sand.u32 $0x7, s13;
	s15 =	sadd.s32 s8, s15;
	[sflag:s5] =	ssyncadd.s32 $0xFFFFFFE0  }
0x32: {  	[hbm4b:s15+s31] =	stream.linear.scatter [tilespmem:s14], [sflag:$0x3], $0x20, $0x38;
	[tilespmem:$0x80] =	vst v63  }
.LBB2_6:
0x33: {  	_ =	sfence.sel $0x180000  }
0x34: {  	s2 =	simm.s32 $0x2;
	[bflag:$0x0] =	sbarrier.arrive $0xFFFF  }
0x35: {  	s30 =	simm.s32 $0x3;
	[sflag:s2] =	ssyncpa.u1 $0x1  }
0x36: {  	s31 =	simm.s32 $0x1;
	[sflag:s30] =	ssyncpa.u1 $0x1  }
0x37: {  	[sflag:s31] =	ssyncpa.u1 $0x1  }
0x38: {  	p0 =	sne.s32 s0, $0x0;
	_ =	strace $0x90000047  }
0x39: {  	s0 =	sadd.s32 @!p0 $0x100000, s1;
	[bflag:$0x2] =	sbarrier.arrive $0xFFFF  }
0x3a: {  	[sflag:s0] =	ssyncadd.tile.s32 @!p0 $0x1;
	_ =	shalt  }
.Lfunc_end2:
_tile_overlayer_lowered:
.L_overlay_start_2:
0x3b: {  	(tag) =	ssettag $0x2  }
0x3c: {  	s0 =	rddreg [dreg:$0x0];
	s2 =	stileid.u32  }
0x3d: {  	s1 =	rddreg [dreg:$0x1];
	p0 =	sne.s32 s2, $0x0  }
0x3e: {  	s3 =	rddreg [dreg:$0x2];
	[bflag:$0x3] =	sbarrier.arrive $0xFFFF;
	s2 =	simm.s32 @!p0 $0x1C01  }
0x3f: {  	[timem:s3], [sflag:s2] =	dma.local @!p0 [hbm:s0], s1  }
0x40: {  	s0 =	simm.s32 @!p0 $0x1  }
0x41: {  	_ =	swait.ge @!p0 [sflag:s0], s1  }
0x42: {  	s1 =	ssub.s32 @!p0 $0x0, s1;
	[sflag:s0] =	ssyncset.done @!p0 $0x0  }
0x43: {  	[sflag:s0] =	ssyncadd.s32 @!p0 s1  }
0x44: {  	[bflag:$0x3] =	sbarrier.arrive $0xFFFF  }
0x45: {  	_ =	shalt  }

// kernel: gather_offload_async_start
scs
__scs_entry_jumppad:
0x0: {  	(pc) =	sbr.rel $0x88, $3  }
0x1: {  	(tag) =	ssettag $0x0;
	lr =	simm.s32 $0x1  }
0x2: {  	[smem:$0x3F9B] =	sst lr;
	_ =	strace $0xD0000000  }
0x3: {  	_ = 	snop  }
0x4: {  	_ = 	snop  }
0x5: {  	_ = 	snop  }
0x6: {  	_ = 	snop  }
0x7: {  	_ = 	snop  }
__scs_overlays_trampoline_lowered:
0x8: {  	[smem:$0x3FAA] =	sst s0  }
0x9: {  	[smem:$0x3FAB] =	sst s1  }
0xa: {  	[smem:$0x3FAC] =	sst s2  }
0xb: {  	[smem:$0x3FAD] =	sst s3  }
0xc: {  	[smem:$0x3FAE] =	sst s4  }
0xd: {  	[smem:$0x3FAF] =	sst s5  }
0xe: {  	[smem:$0x3FB0] =	sst s6  }
0xf: {  	[smem:$0x3FB1] =	sst s7  }
0x10: {  	[smem:$0x3FB2] =	sst s8  }
0x11: {  	[smem:$0x3FB3] =	sst s9;
	s0 =	simm.s32 @!p0 $0x0  }
0x12: {  	s1 =	sld [smem:$0x3F99];
	s0 =	simm.s32 @p0 $0x1  }
0x13: {  	[smem:$0x3FB4] =	sst s0;
	s0 =	simm.s32 @!p1 $0x0  }
0x14: {  	s2 =	sld [smem:$0x3F98];
	s0 =	simm.s32 @p1 $0x1  }
0x15: {  	[smem:$0x3FB5] =	sst s0;
	s0 =	simm.s32 @!p2 $0x0  }
0x16: {  	s3 =	sld [smem:$0x3FDB];
	s0 =	simm.s32 @p2 $0x1  }
0x17: {  	s4 =	simm.s32 $0x1BF5;
	[smem:$0x3FB7] =	sst s0  }
0x18: {  	s0 =	sld [smem:$0x3F9A];
	_ =	swait.ge [sflag:s4], $0x0  }
0x19: {  	s7 =	sld [smem:$0x3F9B]  }
0x1a: {  	s8 =	sadd.s32 $0xFFFFE003, lr  }
0x1b: {  	s9 =	sadd.s32 $0xFFFFFEF7, lr;
	s5 =	simm.s32 $0xFFFFFFFF;
	p2 =	slt.u32 s8, $0xFFFFF086  }
0x1c: {  	p1 =	slt.u32 s9, $0xF7A;
	s5 =	simm.s32 @!p2 $0x0  }
0x1d: {  	s5 =	simm.s32 @p1 $0x1;
	p0 =	seq.s32 s7, s2  }
0x1e: {  	s7 =	smul.u32 @!p0 $0xF7A, s2;
	p2 =	seq.s32 @!p0 s5, $0x0  }
0x1f: {  	s9 =	smul.u32 $0xF7A, s1;
	s8 =	simm.s32 @!p0 $0x1BF5;
	p2 =	por !p2, p0  }
0x20: {  	[sflag:s8] =	ssyncset.s32 @!p0 $0xFFFFF086;
	s6 =	sadd.s32 @!p0 s3, s7;
	s7 =	simm.s32 @!p0 $0x108  }
0x21: {  	s3 =	sadd.s32 s3, s9;
	s6 =	sadd.s32 @!p0 $0x88, s6;
	s7 =	simm.s32 @p2 $0x1082  }
0x22: {  	[simem:s7], [sflag:s8] =	dma.local @!p0 [hbm:s6], $0xF7A  }
0x23: {  	s9 =	sor.u32 $0xD0000000, s2;
	s6 =	simm.s32 $0x108;
	_ =	swait.ge @!p0 [sflag:s8], $0x0  }
0x24: {  	s3 =	sadd.s32 $0x88, s3;
	s6 =	simm.s32 @!p1 $0x1082;
	[sflag:s4] =	ssyncset.s32 $0xFFFFF086  }
0x25: {  	[simem:s6], [sflag:s4] =	dma.local [hbm:s3], $0xF7A  }
0x26: {  	[smem:$0x3F9B] =	sst s1;
	(tag) =	ssettag s2;
	_ =	strace s9  }
0x27: {  	s1 =	sld [smem:$0x3FAB]  }
0x28: {  	s2 =	sld [smem:$0x3FAC]  }
0x29: {  	s4 =	sld [smem:$0x3FAE]  }
0x2a: {  	p0 =	seq.s32 s5, $0x0;
	s5 =	sld [smem:$0x3FAF]  }
0x2b: {  	s6 =	sld [smem:$0x3FB0]  }
0x2c: {  	s7 =	sld [smem:$0x3FB1]  }
0x2d: {  	s3 =	simm.s32 $0x108;
	s8 =	sld [smem:$0x3FB2]  }
0x2e: {  	s3 =	simm.s32 @!p0 $0x1082;
	s9 =	sld [smem:$0x3FB3]  }
0x2f: {  	lr =	sadd.s32 s0, s3;
	s0 =	sld [smem:$0x3FAA]  }
0x30: {  	s3 =	sld [smem:$0x3FAD]  }
0x31: {  	[smem:$0x3FB6] =	sst s10  }
0x32: {  	s10 =	sld [smem:$0x3FB4];
	_ =	sdelay $0x3  }
0x33: {  	p0 =	seq.s32 s10, $0x1;
	s10 =	sld [smem:$0x3FB6];
	_ =	sdelay $0x3  }
0x34: {  	[smem:$0x3FB6] =	sst s10  }
0x35: {  	s10 =	sld [smem:$0x3FB5];
	_ =	sdelay $0x3  }
0x36: {  	p1 =	seq.s32 s10, $0x1;
	s10 =	sld [smem:$0x3FB6];
	_ =	sdelay $0x3  }
0x37: {  	[smem:$0x3FB6] =	sst s10  }
0x38: {  	s10 =	sld [smem:$0x3FB7]  }
0x39: {  	_ = 	snop;
	(pc) =	sbr.ind lr, $3  }
0x3a: {  	_ = 	snop  }
0x3b: {  	_ = 	snop  }
0x3c: {  	p2 =	seq.s32 s10, $0x1;
	s10 =	sld [smem:$0x3FB6]  }
0x3d: {  	_ =	shalt  }
0x3e: {  	_ =	shalt  }
0x3f: {  	_ =	shalt  }
0x40: {  	_ =	shalt  }
0x41: {  	_ =	shalt  }
0x42: {  	_ =	shalt  }
0x43: {  	_ =	shalt  }
0x44: {  	_ =	shalt  }
0x45: {  	_ =	shalt  }
0x46: {  	_ =	shalt  }
0x47: {  	_ =	shalt  }
0x48: {  	_ =	shalt  }
0x49: {  	_ =	shalt  }
0x4a: {  	_ =	shalt  }
0x4b: {  	_ =	shalt  }
0x4c: {  	_ =	shalt  }
0x4d: {  	_ =	shalt  }
0x4e: {  	_ =	shalt  }
0x4f: {  	_ =	shalt  }
0x50: {  	_ =	shalt  }
0x51: {  	_ =	shalt  }
0x52: {  	_ =	shalt  }
0x53: {  	_ =	shalt  }
0x54: {  	_ =	shalt  }
0x55: {  	_ =	shalt  }
0x56: {  	_ =	shalt  }
0x57: {  	_ =	shalt  }
0x58: {  	_ =	shalt  }
0x59: {  	_ =	shalt  }
0x5a: {  	_ =	shalt  }
0x5b: {  	_ =	shalt  }
0x5c: {  	_ =	shalt  }
0x5d: {  	_ =	shalt  }
0x5e: {  	_ =	shalt  }
0x5f: {  	_ =	shalt  }
0x60: {  	_ =	shalt  }
0x61: {  	_ =	shalt  }
0x62: {  	_ =	shalt  }
0x63: {  	_ =	shalt  }
0x64: {  	_ =	shalt  }
0x65: {  	_ =	shalt  }
0x66: {  	_ =	shalt  }
0x67: {  	_ =	shalt  }
0x68: {  	_ =	shalt  }
0x69: {  	_ =	shalt  }
0x6a: {  	_ =	shalt  }
0x6b: {  	_ =	shalt  }
0x6c: {  	_ =	shalt  }
0x6d: {  	_ =	shalt  }
0x6e: {  	_ =	shalt  }
0x6f: {  	_ =	shalt  }
0x70: {  	_ =	shalt  }
0x71: {  	_ =	shalt  }
0x72: {  	_ =	shalt  }
0x73: {  	_ =	shalt  }
0x74: {  	_ =	shalt  }
0x75: {  	_ =	shalt  }
0x76: {  	_ =	shalt  }
0x77: {  	_ =	shalt  }
0x78: {  	_ =	shalt  }
0x79: {  	_ =	shalt  }
0x7a: {  	_ =	shalt  }
0x7b: {  	_ =	shalt  }
0x7c: {  	_ =	shalt  }
0x7d: {  	_ =	shalt  }
0x7e: {  	_ =	shalt  }
0x7f: {  	_ =	shalt  }
0x80: {  	_ =	shalt  }
0x81: {  	_ =	shalt  }
0x82: {  	_ =	shalt  }
0x83: {  	_ =	shalt  }
0x84: {  	_ =	shalt  }
0x85: {  	_ =	shalt  }
0x86: {  	_ =	shalt  }
0x87: {  	_ =	shalt  }
.Lfunc_end0:
.L_simem_size_0:
called_computation.1_lowered:
.L_overlay_start_0:
0x88: {  	s2 =	sld [smem:$0x3FD9]  }
0x89: {  	s3 =	sld [smem:$0x3FFE];
	_ =	sdelay $0x1  }
0x8a: {  	s1 =	srdreg.scid  }
0x8b: {  	s0 =	sand.u32 $0x1, s1  }
0x8c: {  	s15 =	sshll.u32 s0, $0xA;
	s2 =	sadd.s32 s3, s2  }
0x8d: {  	s2 =	sadd.s32 s2, s15  }
0x8e: {  	[smem:$0x3FC2] =	sst s2  }
0x8f: {  	_ = 	snop  }
0x90: {  	s2 =	sld [smem:$0x3FD0];
	_ =	sdelay $0x2  }
0x91: {  	s16 =	simm.s32 $0xD;
	s4 =	simm.s32 $0x10  }
0x92: {  	[smem:s4], [sflag:s16] =	dma.local [hbm:s2], $0x1  }
0x93: {  	_ =	swait.eq [sflag:s16], $0x1  }
0x94: {  	s17 =	sld [smem:$0x12];
	[sflag:s16] =	ssyncset.done $0x0  }
0x95: {  	s18 =	sld [smem:$0x13];
	[sflag:s16] =	ssyncadd.s32 $0xFFFFFFFF  }
0x96: {  	s19 =	sld [smem:$0x16];
	(tm) =	ssettm $0x1  }
0x97: {  	s5 =	sld [smem:$0x3FFB];
	_ =	sdelay $0x3  }
0x98: {  	_ =	strace s5  }
0x99: {  	s5 =	sld [smem:$0x3FFC];
	_ =	sdelay $0x3  }
0x9a: {  	_ =	strace s5  }
0x9b: {  	s5 =	sld [smem:$0x3FFD];
	_ =	sdelay $0x3  }
0x9c: {  	_ =	strace s5  }
0x9d: {  	_ =	strace $0x8FFFFFFF  }
0x9e: {  	s20 =	sld [smem:$0x3FDB];
	_ =	sdelay $0x1  }
0x9f: {  	s6 =	simm.s32 $_scs_section_size  }
0xa0: {  	s7 =	simm.s32 $_size__tile_overlayer_lowered;
	s8 =	simm.s32 $_tile_overlayer_lowered  }
0xa1: {  	s23 =	simm.s32 $0x1BFF;
	s22 =	sshll.u32 s8, $0x1;
	s5 =	sadd.s32 s6, s20  }
0xa2: {  	s9 =	simm.s32 $0x0;
	s21 =	sshll.u32 s7, $0x1;
	s7 =	sadd.s32 s22, s5  }
0xa3: {  	[timem:s9], [sflag:s23] =	dma.local [hbm:s7], s21  }
0xa4: {  	_ =	swait.ge [sflag:s23], s21  }
0xa5: {  	s6 =	ssub.s32 $0x0, s21;
	[sflag:s23] =	ssyncset.done $0x0  }
0xa6: {  	[sflag:s23] =	ssyncadd.s32 s6;
	_ =	sdelay $0x1  }
0xa7: {  	s24 =	simm.s32 $0x1B8B  }
0xa8: {  	_ =	swait.ge [sflag:s24], $0x1  }
0xa9: {  	[sflag:s24] =	ssyncset.done $0x0  }
0xaa: {  	s25 =	simm.s32 $0x1B8E;
	[sflag:s24] =	ssyncadd.s32 $0xFFFFFFFF  }
0xab: {  	s26 =	simm.s32 $execute0_lowered;
	[smem:$0x3FD2] =	sst s25  }
0xac: {  	s6 =	sshll.u32 s26, $0x1;
	_ =	strace $0x80000052;
	[dreg:$0x1] =	wrdreg $0xFFFFFFFF  }
0xad: {  	s28 =	simm.s32 $_size_execute0_lowered;
	s5 =	sadd.s32 s5, s6;
	[dreg:$0x0] =	wrdreg $0x0  }
0xae: {  	s6 =	sshll.u32 s28, $0x1;
	[dreg:$0x2] =	wrdreg s5  }
0xaf: {  	[dreg:$0x3] =	wrdreg s6  }
0xb0: {  	[dreg:$0x4] =	wrdreg $0xC0  }
0xb1: {  	_ =	task [dreg:s9], $0x5FFFF  }
0xb2: {  	[dreg:$0x1] =	wrdreg $0xFFFFFFFF  }
0xb3: {  	[dreg:$0x0] =	wrdreg $0x60  }
0xb4: {  	[dreg:$0x2] =	wrdreg s17  }
0xb5: {  	[dreg:$0x3] =	wrdreg s19  }
0xb6: {  	[dreg:$0x4] =	wrdreg s18  }
0xb7: {  	[dreg:$0x5] =	wrdreg $0x9  }
0xb8: {  	_ =	task.clear_ibuf [dreg:s9], $0x6FFFF;
	_ =	strace $0x90000052  }
0xb9: {  	s29 =	simm.s32 $0x9;
	_ =	strace $0x80000054  }
0xba: {  	_ =	swait.ge [sflag:s29], $0x1  }
0xbb: {  	[sflag:s29] =	ssyncadd.s32 $0xFFFFFFFF  }
0xbc: {  	_ =	strace $0x90000054  }
0xbd: {  	_ =	sfence  }
0xbe: {  	s30 =	sld [smem:$0x0];
	_ =	sdelay $0x2  }
0xbf: {  	s31 =	sshll.u32 s1, $0xD;
	s1 =	sshrl.u32 s1, $0x2  }
0xc0: {  	s3 =	sand.u32 $0x4000, s31;
	s1 =	sadd.s32 s1, s30  }
0xc1: {  	s0 =	sor.u32 s3, s0;
	s1 =	sshll.u32 s1, $0x11  }
0xc2: {  	s0 =	sor.u32 s1, s0  }
0xc3: {  	s0 =	sadd.s32 $0x8F2B, s0  }
0xc4: {  	[sflag:s0] =	ssyncadd.remote.s32 $0x1  }
0xc5: {  	_ =	sfence.sel $0xFFFF  }
0xc6: {  	[dreg:$0x0] =	wrdreg $0xFFFFFFFF;
	(pc) =	sbr.abs _section_cstart, $3  }
0xc7: {  	[dreg:$0x1] =	wrdreg $0xFFFFFFFF  }
0xc8: {  	_ =	task.clear_ibuf [dreg:s9], $0x2FFFF;
	_ =	strace $0x9FFFFFFF  }
0xc9: {  	(tm) =	ssettm $0x7FFFFFFF  }
tec
execute0_lowered:
.L_overlay_start_1:
0x0: {  	(tag) =	ssettag $0x1  }
0x1: {  	s2 =	rddreg [dreg:$0x0]  }
0x2: {  	s3 =	rddreg [dreg:$0x1];
	s0 =	stileid.u32  }
0x3: {  	s1 =	srdreg.scid;
	s4 =	rddreg [dreg:$0x2];
	s9 =	simm.s32 $0x1  }
0x4: {  	s10 =	simm.s32 $0x3;
	s5 =	sand.u32 $0x1, s1;
	s6 =	sshll.u32 s0, $0x1  }
0x5: {  	s13 =	simm.s32 $0x0;
	s12 =	simm.s32 $0x0;
	s7 =	sor.u32 s6, s5  }
0x6: {  	s1 =	rddreg [dreg:$0x3];
	_ =	strace $0x80000053;
	s5 =	smul.u32 $0x320, s7  }
0x7: {  	s6 =	simm.s32 $0x1;
	p0 =	slt.u32 s7, $0x3;
	s7 =	simm.s32 $0x6400  }
.Ltmp0:
0x8: {  	s7 =	simm.s32 @!p0 $0x0;
	s8 =	ssub.s32 $0x6A40, s5;
	(pc) =	sbr.rel .LBB2_1-.Ltmp0, $4  }
0x9: {  	s9 =	simm.s32 @!p0 $0x0;
	p0 =	sne.s32 s8, s7;
	s8 =	simm.s32 $0x1  }
0xa: {  	[sflag:s6] =	ssyncpa.u1 $0x0;
	s7 =	simm.s32 $0x2;
	s8 =	simm.s32 @!p0 $0x0  }
0xb: {  	s11 =	smov.u32 s5;
	[sflag:s7] =	ssyncpa.u1 $0x0;
	s8 =	sadd.s32 s9, s8  }
0xc: {  	vm0 =	vmmov $0xffff;
	[sflag:s10] =	ssyncpa.u1 $0x0;
	s10 =	simm.s32 $0x0;
	s9 =	sadd.s32 $0x1, s8  }
.LBB2_4:
0xd: {  	vm1 =	veq.s32 v0, $0x80000000;
	v3 =	vand.u32 $0x7, v0;
	v62 =	vshll.u32 v0, $0x10  }
0xe: {  	v2 =	vand.u32 $0xFFFF, v2;
	v3 =	vsel vm1, $0xFFFFFFFF, v3;
	v0 =	vand.u32 $0x1F80000, v62  }
0xf: {  	v0 =	vsel vm1, $0xFFF80000, v0;
	v4 =	vand.u32 $0xFFF80000, v3;
	v3 =	vshll.u32 v3, $0x7  }
0x10: {  	v2 =	vsel vm1, $0xFFFFFFFF, v2;
	v0 =	vadd.s32 v4, v0;
	v3 =	vand.u32 $0x380, v3  }
0x11: {  	v63 =	vand.u32 $0x7F, v2;
	v2 =	vshll.u32 v2, $0x3;
	v0 =	vor.u32 v3, v0  }
0x12: {  	v2 =	vand.u32 $0xFFFFFC00, v2;
	v0 =	vor.u32 v63, v0  }
0x13: {  	v0 =	vadd.s32 v2, v0;
	_ =	sdelay $0x1  }
0x14: {  	(ifvalue) =	ssetifvalue $0x7FFFFFFF;
	s15 =	sadd.s32 $0x10, s15  }
0x15: {  	[tilespmem:s15], [sflag:$0x1] =	stream.indirect_vreg.gather [hbm4b:s2+s10], $0x1, v1, vm0, $0x4038;
	[tilespmem:$0xC80] =	vst v63  }
0x16: {  	(ifvalue) =	ssetifvalue $0x7FFFFFFF;
	s15 =	sadd.s32 $0x10, s15  }
0x17: {  	[tilespmem:s15], [sflag:$0x1] =	stream.indirect_vreg.gather [hbm4b:s2+s10], $0x1, v0, vm0, $0x4038;
	[tilespmem:$0xC80] =	vst v63  }
0x18: {  	_ =	swait.ge [sflag:s6], $0x320  }
0x19: {  	s30 =	sshrl.u32 s13, $0x3;
	[sflag:s6] =	ssyncset.done $0x0  }
0x1a: {  	s31 =	sand.u32 $0x7, s13;
	s15 =	sadd.s32 s4, s30;
	[sflag:s6] =	ssyncadd.s32 $0xFFFFFCE0  }
0x1b: {  	[hbm4b:s15+s31] =	stream.linear.scatter [tilespmem:s14], [sflag:$0x3], $0x320, $0x38;
	[tilespmem:$0xC80] =	vst v63  }
.LBB2_5:
0x1c: {  	s15 =	sadd.s32 $0x6400, s11  }
0x1d: {  	p1 =	sgt.s32 s15, $0x6A3F  }
0x1e: {  	s15 =	smov.u32 @p1 s5;
	p1 =	sne.s32 s12, s9  }
.Ltmp1:
0x1f: {  	p0 =	slt.u32 s12, $0x2;
	(pc) =	sbr.rel @!p1 .LBB2_6-.Ltmp1, $4  }
0x20: {  	s14 =	simm.s32 @!p0 $0x3  }
0x21: {  	_ =	swait.ge @!p0 [sflag:s14], $0x320  }
0x22: {  	s16 =	sadd.s32 $0x1, s12;
	s13 =	smov.u32 s11;
	[sflag:s14] =	ssyncset.done @!p0 $0x0  }
0x23: {  	s12 =	smov.u32 s16;
	s11 =	smov.u32 s15;
	[sflag:s14] =	ssyncadd.s32 @!p0 $0xFFFFFCE0  }
.LBB2_1:
0x24: {  	p0 =	sge.u32 s12, s8  }
0x25: {  	s14 =	sxor.u32 @!p0 $0x1, s12  }
0x26: {  	s14 =	smul.u32 @!p0 $0xC80, s14  }
0x27: {  	s31 =	sadd.s32 $0xFFFFFFFF, s12;
	s15 =	sshrl.u32 @!p0 s11, $0x3  }
0x28: {  	s16 =	sand.u32 @!p0 $0x7, s11;
	s15 =	sadd.s32 @!p0 s3, s15;
	s14 =	sshra.s32 @!p0 s14, $0x2  }
0x29: {  	[tilespmem:s14], [sflag:$0x2] =	stream.linear.gather @!p0 [hbm4b:s15+s16], $0x320, $0x38;
	[tilespmem:$0xC80] =	vst v63  }
0x2a: {  	p0 =	sge.u32 s31, s8  }
.Ltmp2:
0x2b: {  	_ = 	snop;
	(pc) =	sbr.rel @p0 .LBB2_5-.Ltmp2, $1  }
0x2c: {  	_ =	sdelay $0x3  }
0x2d: {  	s14 =	sand.u32 $0x1, s12  }
0x2e: {  	_ =	swait.ge [sflag:s7], $0x320;
	p0 =	seq.s32 s14, $0x1;
	s14 =	simm.s32 $0x320  }
0x2f: {  	[sflag:s7] =	ssyncset.done $0x0;
	s14 =	simm.s32 @!p0 $0x0  }
0x30: {  	[sflag:s7] =	ssyncadd.s32 $0xFFFFFCE0;
	(ifvalue) =	ssetifvalue $0x7FFFFFFF;
	v0 =	vld.msk [tilespmem:s14+$0x0 ss:$0x1], $0xffff;
	_ =	sdelay $0x1  }
0x31: {  	s15 =	sadd.s32 $0x10, s14  }
0x32: {  	v3 =	vld.msk [tilespmem:s15+$0x0 ss:$0x1], $0xffff;
	_ =	sdelay $0x1  }
0x33: {  	v1 =	vshrl.u32 v0, $0x9  }
0x34: {  	vm1 =	veq.s32 v0, $0x80000000;
	v2 =	vand.u32 $0x7, v0;
	v0 =	vshll.u32 v0, $0x10  }
0x35: {  	v2 =	vsel vm1, $0xFFFFFFFF, v2;
	v0 =	vand.u32 $0x1F80000, v0  }
0x36: {  	v1 =	vand.u32 $0xFFFF, v1;
	v62 =	vand.u32 $0x7, v3;
	v0 =	vsel vm1, $0xFFF80000, v0  }
0x37: {  	v4 =	vand.u32 $0xFFF80000, v2;
	v2 =	vshll.u32 v2, $0x7;
	v1 =	vsel vm1, $0xFFFFFFFF, v1  }
0x38: {  	vm1 =	veq.s32 v3, $0x80000000;
	v0 =	vadd.s32 v4, v0;
	v2 =	vand.u32 $0x380, v2  }
0x39: {  	v61 =	vand.u32 $0x7F, v1;
	v1 =	vshll.u32 v1, $0x3;
	v0 =	vor.u32 v2, v0  }
0x3a: {  	v4 =	vsel vm1, $0xFFFFFFFF, v62;
	v1 =	vand.u32 $0xFFFFFC00, v1;
	v0 =	vor.u32 v61, v0  }
0x3b: {  	s15 =	sadd.s32 $0x10, s15;
	v2 =	vshrl.u32 v3, $0x9;
	v3 =	vshll.u32 v3, $0x10;
	v1 =	vadd.s32 v1, v0  }
0x3c: {  	v5 =	vand.u32 $0xFFF80000, v4;
	v3 =	vand.u32 $0x1F80000, v3;
	v0 =	vld.msk [tilespmem:s15+$0x0 ss:$0x1], $0xffff  }
0x3d: {  	v4 =	vshll.u32 v4, $0x7;
	v2 =	vand.u32 $0xFFFF, v2;
	v3 =	vsel vm1, $0xFFF80000, v3  }
0x3e: {  	v4 =	vand.u32 $0x380, v4;
	v2 =	vsel vm1, $0xFFFFFFFF, v2;
	v3 =	vadd.s32 v5, v3  }
0x3f: {  	s14 =	sadd.s32 $0x640, s14;
	(ifvalue) =	ssetifvalue $0x7FFFFFFF;
	v63 =	vand.u32 $0x7F, v2;
	v2 =	vshll.u32 v2, $0x3;
	v3 =	vor.u32 v4, v3  }
0x40: {  	v3 =	vor.u32 v63, v3;
	[tilespmem:s14], [sflag:$0x1] =	stream.indirect_vreg.gather [hbm4b:s2+s10], $0x1, v1, vm0, $0x4038;
	v1 =	vand.u32 $0xFFFFFC00, v2;
	[tilespmem:$0xC80] =	vst v63  }
0x41: {  	s16 =	simm.s32 $0x20;
	s17 =	sadd.s32 $0x10, s15;
	s15 =	smov.u32 s14;
	v2 =	vshrl.u32 v0, $0x9;
	v1 =	vadd.s32 v1, v3  }
.LBB2_3:
0x42: {  	vm1 =	veq.s32 v0, $0x80000000;
	v3 =	vand.u32 $0x7, v0;
	v4 =	vshll.u32 v0, $0x10;
	v0 =	vld.msk [tilespmem:s17+$0x0 ss:$0x1], $0xffff;
	s16 =	sadd.s32 $0x10, s16  }
0x43: {  	v2 =	vand.u32 $0xFFFF, v2;
	v3 =	vsel vm1, $0xFFFFFFFF, v3;
	v4 =	vand.u32 $0x1F80000, v4;
	p0 =	slt.u32 s16, $0x310  }
.Ltmp3:
0x44: {  	v4 =	vsel vm1, $0xFFF80000, v4;
	v5 =	vand.u32 $0xFFF80000, v3;
	v3 =	vshll.u32 v3, $0x7;
	(pc) =	sbr.rel @p0 .LBB2_3-.Ltmp3, $4  }
0x45: {  	s15 =	sadd.s32 $0x10, s15;
	v2 =	vsel vm1, $0xFFFFFFFF, v2;
	v4 =	vadd.s32 v5, v4;
	v3 =	vand.u32 $0x380, v3;
	(ifvalue) =	ssetifvalue $0x7FFFFFFF  }
0x46: {  	v5 =	vand.u32 $0x7F, v2;
	v2 =	vshll.u32 v2, $0x3;
	v3 =	vor.u32 v3, v4;
	[tilespmem:s15], [sflag:$0x1] =	stream.indirect_vreg.gather [hbm4b:s2+s10], $0x1, v1, vm0, $0x4038;
	[tilespmem:$0xC80] =	vst v63  }
0x47: {  	v1 =	vand.u32 $0xFFFFFC00, v2;
	v3 =	vor.u32 v5, v3  }
0x48: {  	s17 =	sadd.s32 $0x10, s17;
	v2 =	vshrl.u32 v0, $0x9;
	v1 =	vadd.s32 v1, v3  }
.Ltmp4:
0x49: {  	_ = 	snop;
	(pc) =	sbr.rel .LBB2_4-.Ltmp4, $1  }
0x4a: {  	_ =	sdelay $0x3  }
.LBB2_6:
0x4b: {  	_ =	sfence.sel $0x180000  }
0x4c: {  	s2 =	simm.s32 $0x2;
	[bflag:$0x0] =	sbarrier.arrive $0xFFFF  }
0x4d: {  	s30 =	simm.s32 $0x3;
	[sflag:s2] =	ssyncpa.u1 $0x1  }
0x4e: {  	s31 =	simm.s32 $0x1;
	[sflag:s30] =	ssyncpa.u1 $0x1  }
0x4f: {  	[sflag:s31] =	ssyncpa.u1 $0x1  }
0x50: {  	p0 =	sne.s32 s0, $0x0;
	_ =	strace $0x90000053  }
0x51: {  	s0 =	sadd.s32 @!p0 $0x100000, s1;
	[bflag:$0x2] =	sbarrier.arrive $0xFFFF  }
0x52: {  	[sflag:s0] =	ssyncadd.tile.s32 @!p0 $0x1;
	_ =	shalt  }
.Lfunc_end2:
_tile_overlayer_lowered:
.L_overlay_start_2:
0x53: {  	(tag) =	ssettag $0x2  }
0x54: {  	s0 =	rddreg [dreg:$0x0];
	s2 =	stileid.u32  }
0x55: {  	s1 =	rddreg [dreg:$0x1];
	p0 =	sne.s32 s2, $0x0  }
0x56: {  	s3 =	rddreg [dreg:$0x2];
	[bflag:$0x3] =	sbarrier.arrive $0xFFFF;
	s2 =	simm.s32 @!p0 $0x1C01  }
0x57: {  	[timem:s3], [sflag:s2] =	dma.local @!p0 [hbm:s0], s1  }
0x58: {  	s0 =	simm.s32 @!p0 $0x1  }
0x59: {  	_ =	swait.ge @!p0 [sflag:s0], s1  }
0x5a: {  	s1 =	ssub.s32 @!p0 $0x0, s1;
	[sflag:s0] =	ssyncset.done @!p0 $0x0  }
0x5b: {  	[sflag:s0] =	ssyncadd.s32 @!p0 s1  }
0x5c: {  	[bflag:$0x3] =	sbarrier.arrive $0xFFFF  }
0x5d: {  	_ =	shalt  }

// kernel: sparse-core-data-format-call.cloned.1.call-start
scs
called_computation_lowered:
.L_overlay_start_0:
0x0: {  	s2 =	sld [smem:$0x3FD9]  }
0x1: {  	s3 =	sld [smem:$0x3FFE];
	_ =	sdelay $0x1  }
0x2: {  	s1 =	srdreg.scid  }
0x3: {  	s0 =	sand.u32 $0x1, s1  }
0x4: {  	s16 =	sshll.u32 s0, $0xA;
	s2 =	sadd.s32 s3, s2  }
0x5: {  	s2 =	sadd.s32 s2, s16  }
0x6: {  	[smem:$0x3FC2] =	sst s2  }
0x7: {  	_ = 	snop  }
0x8: {  	s2 =	sld [smem:$0x3FD0];
	_ =	sdelay $0x2  }
0x9: {  	s17 =	simm.s32 $0xD;
	s4 =	simm.s32 $0x10  }
0xa: {  	[smem:s4], [sflag:s17] =	dma.local [hbm:s2], $0x1  }
0xb: {  	_ =	swait.eq [sflag:s17], $0x1  }
0xc: {  	[sflag:s17] =	ssyncset.done $0x0  }
0xd: {  	[sflag:s17] =	ssyncadd.s32 $0xFFFFFFFF  }
0xe: {  	s18 =	sld [smem:$0x12];
	(tm) =	ssettm $0x1  }
0xf: {  	s19 =	sld [smem:$0x3FFB];
	_ =	sdelay $0x3  }
0x10: {  	_ =	strace s19  }
0x11: {  	s2 =	sld [smem:$0x3FFC];
	_ =	sdelay $0x3  }
0x12: {  	_ =	strace s2  }
0x13: {  	s2 =	sld [smem:$0x3FFD];
	_ =	sdelay $0x3  }
0x14: {  	_ =	strace s2  }
0x15: {  	_ =	strace $0x8FFFFFFF  }
0x16: {  	s20 =	sld [smem:$0x3FDB];
	_ =	sdelay $0x1  }
0x17: {  	s21 =	simm.s32 $_scs_section_size  }
0x18: {  	s5 =	simm.s32 $_size__tile_overlayer_lowered;
	s6 =	simm.s32 $_tile_overlayer_lowered  }
0x19: {  	s7 =	simm.s32 $0x1BFF;
	s22 =	sshll.u32 s6, $0x1;
	s4 =	sadd.s32 s21, s20  }
0x1a: {  	s23 =	simm.s32 $0x0;
	s5 =	sshll.u32 s5, $0x1;
	s6 =	sadd.s32 s22, s4  }
0x1b: {  	[timem:s23], [sflag:s7] =	dma.local [hbm:s6], s5  }
0x1c: {  	_ =	swait.ge [sflag:s7], s5  }
0x1d: {  	s5 =	ssub.s32 $0x0, s5;
	[sflag:s7] =	ssyncset.done $0x0  }
0x1e: {  	[sflag:s7] =	ssyncadd.s32 s5;
	_ =	sdelay $0x1  }
0x1f: {  	s24 =	simm.s32 $0x1B8B  }
0x20: {  	_ =	swait.ge [sflag:s24], $0x1  }
0x21: {  	[sflag:s24] =	ssyncset.done $0x0  }
0x22: {  	[sflag:s24] =	ssyncadd.s32 $0xFFFFFFFF  }
0x23: {  	s5 =	sld [smem:$0x0]  }
0x24: {  	s6 =	sand.u32 $0xFFFFFFFE, s1  }
0x25: {  	p0 =	sne.s32 s1, s6  }
0x26: {  	s6 =	sshll.u32 @p0 s6, $0xE  }
0x27: {  	s6 =	sadd.s32 @p0 $0x11B8D, s6;
	s7 =	sshll.u32 @p0 s5, $0x11  }
0x28: {  	s6 =	sor.u32 @p0 s7, s6  }
0x29: {  	[sflag:s6] =	ssyncadd.remote.s32 @p0 $0x1;
	_ =	sdelay $0x1  }
0x2a: {  	s6 =	simm.s32 @p0 $0x1B8D  }
0x2b: {  	_ =	swait.eq @p0 [sflag:s6], $0x1  }
0x2c: {  	[sflag:s6] =	ssyncadd.s32 @p0 $0xFFFFFFFF  }
0x2d: {  	s7 =	sshll.u32 @!p0 s1, $0xE  }
0x2e: {  	s7 =	sor.u32 @!p0 $0x4000, s7;
	s6 =	simm.s32 @!p0 $0x1B8D  }
0x2f: {  	s5 =	sshll.u32 @!p0 s5, $0x11;
	s7 =	sadd.s32 @!p0 $0x11B8D, s7;
	_ =	swait.eq @!p0 [sflag:s6], $0x1  }
0x30: {  	s5 =	sor.u32 @!p0 s5, s7;
	[sflag:s6] =	ssyncadd.s32 @!p0 $0xFFFFFFFF  }
0x31: {  	s26 =	simm.s32 $0x1B8E;
	s25 =	sld [smem:$0x3FFE];
	[sflag:s5] =	ssyncadd.remote.s32 @!p0 $0x1  }
0x32: {  	s27 =	simm.s32 $execute0_lowered;
	[smem:$0x3FD2] =	sst s26  }
0x33: {  	s6 =	sshll.u32 s27, $0x1;
	_ =	strace $0x8000004F;
	[dreg:$0x1] =	wrdreg $0xFFFFFFFF  }
0x34: {  	s28 =	simm.s32 $_size_execute0_lowered;
	s4 =	sadd.s32 s4, s6;
	[dreg:$0x0] =	wrdreg $0x0  }
0x35: {  	s6 =	sshll.u32 s28, $0x1;
	[dreg:$0x2] =	wrdreg s4  }
0x36: {  	[dreg:$0x3] =	wrdreg s6  }
0x37: {  	[dreg:$0x4] =	wrdreg $0xC0  }
0x38: {  	_ =	task [dreg:s23], $0x5FFFF  }
0x39: {  	[dreg:$0x1] =	wrdreg $0xFFFFFFFF  }
0x3a: {  	[dreg:$0x0] =	wrdreg $0x60  }
0x3b: {  	[dreg:$0x2] =	wrdreg s25  }
0x3c: {  	[dreg:$0x3] =	wrdreg s18  }
0x3d: {  	[dreg:$0x4] =	wrdreg $0x9  }
0x3e: {  	_ =	task.clear_ibuf [dreg:s23], $0x5FFFF;
	_ =	strace $0x9000004F  }
0x3f: {  	s29 =	simm.s32 $0x9;
	_ =	strace $0x80000051  }
0x40: {  	_ =	swait.ge [sflag:s29], $0x1  }
0x41: {  	[sflag:s29] =	ssyncadd.s32 $0xFFFFFFFF  }
0x42: {  	_ =	strace $0x90000051  }
0x43: {  	_ =	sfence  }
0x44: {  	s30 =	sld [smem:$0x0];
	_ =	sdelay $0x2  }
0x45: {  	s31 =	sshll.u32 s1, $0xD;
	s1 =	sshrl.u32 s1, $0x2  }
0x46: {  	s4 =	sand.u32 $0x4000, s31;
	s1 =	sadd.s32 s1, s30  }
0x47: {  	s0 =	sor.u32 s4, s0;
	s1 =	sshll.u32 s1, $0x11  }
0x48: {  	s0 =	sor.u32 s1, s0  }
0x49: {  	s0 =	sadd.s32 $0x8F2B, s0  }
0x4a: {  	[sflag:s0] =	ssyncadd.remote.s32 $0x1  }
0x4b: {  	_ =	sfence.sel $0xFFFF  }
0x4c: {  	[dreg:$0x0] =	wrdreg $0xFFFFFFFF;
	(pc) =	sbr.abs _section_cstart, $3  }
0x4d: {  	[dreg:$0x1] =	wrdreg $0xFFFFFFFF  }
0x4e: {  	_ =	task.clear_ibuf [dreg:s23], $0x2FFFF;
	_ =	strace $0x9FFFFFFF  }
0x4f: {  	(tm) =	ssettm $0x7FFFFFFF  }
tec
execute0_lowered:
.L_overlay_start_1:
0x0: {  	(tag) =	ssettag $0x1  }
0x1: {  	s0 =	srdreg.scid  }
0x2: {  	s1 =	stileid.u32;
	s31 =	rddreg [dreg:$0x0];
	s0 =	sshll.u32 s0, $0x4  }
0x3: {  	s3 =	rddreg [dreg:$0x1];
	s5 =	simm.s32 $0x1;
	s0 =	sand.u32 $0x10, s0  }
0x4: {  	_ =	strace $0x80000050;
	s7 =	simm.s32 $0x2;
	s0 =	sor.u32 s1, s0  }
0x5: {  	s17 =	simm.s32 $0x0;
	s8 =	simm.s32 $0x80000;
	s2 =	sshll.u32 s0, $0x8  }
0x6: {  	s9 =	simm.s32 $0x0;
	s19 =	simm.s32 $0x0;
	s0 =	ssub.s32 $0x10000, s2  }
0x7: {  	s18 =	simm.s32 $0x0;
	s10 =	simm.s32 $0x0;
	s4 =	sand.u32 $0x1F00, s0  }
0x8: {  	s11 =	simm.s32 $0x0;
	s12 =	simm.s32 $0x0;
	p0 =	sne.s32 s4, $0x0  }
.Ltmp0:
0x9: {  	s0 =	sshrl.u32 s0, $0xD;
	s5 =	simm.s32 @!p0 $0x0;
	(pc) =	sbr.rel .LBB1_1-.Ltmp0, $4  }
0xa: {  	s14 =	simm.s32 $0x0;
	s15 =	simm.s32 $0x0;
	s0 =	sadd.s32 s5, s0  }
0xb: {  	s16 =	simm.s32 $0x0;
	s4 =	simm.s32 $0x1;
	s5 =	smul.u32 $0x5, s0  }
0xc: {  	s25 =	simm.s32 $0x0;
	s6 =	sadd.s32 $0x301400, s31;
	[sflag:s4] =	ssyncpa.u1 $0x0  }
0xd: {  	s13 =	smov.u32 s2;
	[sflag:s7] =	ssyncpa.u1 $0x0;
	s7 =	sadd.s32 $0x1, s5  }
.LBB1_7:
0xe: {  	p0 =	slt.u32 s16, $0x2  }
0xf: {  	p1 =	sgt.s32 @!p0 s19, $0x1A  }
0x10: {  	s0 =	smov.u32 s19;
	s1 =	sshra.s32 @!p0 s19, $0x1F;
	p1 =	por !p1, p0  }
0x11: {  	s1 =	sand.u32 @!p0 s1, s19;
	s0 =	simm.s32 @p1 $0x1A  }
0x12: {  	s20 =	sadd.s32 $0x2000, s13;
	s0 =	ssub.s32 @!p0 s0, s1  }
0x13: {  	s21 =	smov.u32 s14;
	p2 =	sgt.s32 @!p0 s17, $0xFF00;
	s1 =	sadd.s32 @!p0 $0xFFFFFFE6, s0  }
0x14: {  	p2 =	por !p2, p0;
	p1 =	sgt.s32 @!p0 s1, $0x7;
	s1 =	ssub.s32 @!p0 $0x0, s18  }
0x15: {  	s19 =	sshra.s32 @!p0 s17, $0x1F;
	s1 =	smin.u32 @!p0 s18, s1;
	s18 =	smov.u32 s17  }
0x16: {  	s0 =	ssub.s32 @!p0 $0x22, s0;
	s17 =	sand.u32 @!p0 s19, s17;
	s18 =	simm.s32 @p2 $0xFF00  }
0x17: {  	p1 =	por !p1, p0;
	p2 =	sgt.s32 @!p0 s1, $0x7;
	s17 =	ssub.s32 @!p0 s18, s17  }
0x18: {  	s1 =	ssub.s32 @!p0 $0x8, s1;
	p2 =	por !p2, p0;
	s18 =	sadd.s32 @!p0 $0xFFFF0100, s17  }
0x19: {  	s0 =	simm.s32 @!p1 $0x0;
	s1 =	simm.s32 @!p2 $0x0;
	p1 =	sgt.s32 @!p0 s18, $0xFF  }
0x1a: {  	s0 =	smul.u32 @!p0 s1, s0;
	s1 =	ssub.s32 @!p0 $0x10000, s17;
	p1 =	por !p1, p0  }
0x1b: {  	s17 =	sadd.s32 $0x8, s14;
	s1 =	simm.s32 @!p1 $0x0;
	p1 =	sgt.s32 s20, $0xFFFF  }
0x1c: {  	s22 =	smov.u32 s15;
	s21 =	smov.u32 @p1 s17  }
0x1d: {  	s0 =	smul.u32 @!p0 s1, s0;
	s1 =	sadd.s32 $0x8, s15;
	p2 =	sgt.s32 s21, $0x21  }
0x1e: {  	s9 =	sadd.s32 $0x4000, s9;
	s19 =	smov.u32 s11;
	s22 =	smov.u32 @p2 s1  }
0x1f: {  	s11 =	smov.u32 s14;
	s20 =	smov.u32 @p1 s2;
	p1 =	sgt.s32 s22, $0x7  }
0x20: {  	s18 =	smov.u32 s12;
	s22 =	simm.s32 @p1 $0x0;
	p1 =	sne.s32 s16, s7  }
.Ltmp1:
0x21: {  	s12 =	smov.u32 s15;
	s17 =	smov.u32 s10;
	(pc) =	sbr.rel @!p1 .LBB1_8-.Ltmp1, $4  }
0x22: {  	s10 =	smov.u32 s13;
	s0 =	sand.u32 @!p0 $0x3FFFFFFF, s0;
	s1 =	simm.s32 @!p0 $0x2  }
0x23: {  	s13 =	smov.u32 s20;
	s21 =	simm.s32 @p2 $0x0;
	_ =	swait.ge @!p0 [sflag:s1], s0  }
0x24: {  	s0 =	ssub.s32 @!p0 $0x0, s0;
	s14 =	smov.u32 s21;
	[sflag:s1] =	ssyncset.done @!p0 $0x0  }
0x25: {  	s16 =	sadd.s32 $0x1, s16;
	[sflag:s1] =	ssyncadd.s32 @!p0 s0;
	s15 =	smov.u32 s22  }
.LBB1_1:
0x26: {  	p0 =	sge.u32 s16, s5  }
0x27: {  	s0 =	sshll.u32 @!p0 s14, $0x10  }
0x28: {  	s1 =	sshll.u32 @!p0 s13, $0x3;
	s0 =	sand.u32 @!p0 $0xFFF80000, s0  }
0x29: {  	s0 =	sadd.s32 @!p0 s0, s1  }
0x2a: {  	s0 =	sshrl.u32 @!p0 s0, $0x10  }
0x2b: {  	s20 =	smul.u32 @!p0 $0xCCCD, s0;
	_ =	sdelay $0x1  }
0x2c: {  	s21 =	sxor.u32 @!p0 $0xFFFFFFFF, s16;
	s22 =	sshll.u32 @!p0 s14, $0x7;
	s20 =	sshrl.u32 @!p0 s20, $0x15  }
0x2d: {  	s23 =	sand.u32 @!p0 $0x78, s13;
	s22 =	sand.u32 @!p0 $0x380, s22;
	s20 =	smul.u32 @!p0 $0x28, s20  }
0x2e: {  	s31 =	sadd.s32 $0xFFFFFFFF, s16;
	s21 =	sshll.u32 @!p0 s21, $0xE;
	s22 =	sor.u32 @!p0 s22, s23  }
0x2f: {  	s1 =	sand.u32 @!p0 $0xFC00, s1;
	s0 =	ssub.s32 @!p0 s0, s20;
	s20 =	smul.u32 @!p0 $0x50000, s15  }
0x30: {  	s21 =	sand.u32 @!p0 $0x4000, s21;
	s1 =	sor.u32 @!p0 s1, s22;
	s22 =	sand.u32 @!p0 $0x7, s13  }
0x31: {  	s1 =	sshrl.u32 @!p0 s1, $0x3;
	s0 =	sand.u32 @!p0 $0xFFFF, s0;
	s20 =	sadd.s32 @!p0 s6, s20  }
0x32: {  	s0 =	sshll.u32 @!p0 s0, $0xD;
	s1 =	sadd.s32 @!p0 s1, s20;
	s20 =	sshll.u32 @!p0 s22, $0x12  }
0x33: {  	s0 =	sadd.s32 @!p0 s0, s1;
	s1 =	sor.u32 @!p0 $0x800, s20;
	s20 =	simm.s32 @!p0 $0x280000  }
0x34: {  	[tilespmem:s21], [sflag:$0x1] =	stream.strided.gather @!p0 [hbm4b:s0+s1], $0x4000, s20, s1, $0x38;
	[tilespmem:$0x10000] =	vst v63  }
0x35: {  	p0 =	sge.u32 s31, s5  }
.Ltmp2:
0x36: {  	_ = 	snop;
	(pc) =	sbr.rel @p0 .LBB1_7-.Ltmp2, $1  }
0x37: {  	_ =	sdelay $0x3  }
0x38: {  	s0 =	sshll.u32 s9, $0x2;
	_ =	swait.ge [sflag:s4], $0x4000;
	s1 =	sshll.u32 s16, $0xE  }
0x39: {  	p0 =	por $0x0, $0x0;
	s26 =	simm.s32 $0x0;
	s27 =	simm.s32 $0x0  }
0x3a: {  	s0 =	sand.u32 $0x10000, s0;
	[sflag:s4] =	ssyncset.done $0x0;
	s23 =	sand.u32 $0x4000, s1  }
0x3b: {  	s0 =	sshrl.u32 s0, $0x2;
	[sflag:s4] =	ssyncadd.s32 $0xFFFFC000;
	s20 =	sor.u32 $0x8000, s23  }
0x3c: {  	s21 =	sor.u32 $0x40, s0;
	s22 =	sor.u32 $0x8410, s0;
	s24 =	sadd.s32 $0x8400, s0  }
.LBB1_3:
0x3d: {  	v1 =	vld [tilespmem:s21+$0xFFFFFFD0]  }
0x3e: {  	v2 =	vld [tilespmem:s21+$0x430]  }
0x3f: {  	s0 =	sshll.u32 s27, $0xB;
	v4 =	vld [tilespmem:s21+$0xFFFFFFE0]  }
0x40: {  	v7 =	vld [tilespmem:s21+$0xFFFFFFF0];
	v0 =	vmov s0  }
0x41: {  	v8 =	vld [tilespmem:s21+$0x0]  }
0x42: {  	v9 =	vld [tilespmem:s21+$0x10];
	s0 =	sand.u32 $0x300, s25  }
0x43: {  	s1 =	sand.u32 $0x80, s25;
	v10 =	vld [tilespmem:s21+$0x20];
	s0 =	sadd.s32 s0, s23  }
0x44: {  	v11 =	vld [tilespmem:s21+$0x30];
	s0 =	sadd.s32 s1, s0;
	s1 =	simm.s32 $0x1;
	[tilespmem:s22+$0x60] =	vst v2  }
0x45: {  	s1 =	simm.s32 @!p0 $0x0;
	[tilespmem:s22+$0xFFFFFC00] =	vst v1;
	v3 =	vld.idx.msk [tilespmem:v0+s0+$0x400 ss:$0x1], $0xffff;
	s0 =	sshll.u32 s26, $0x2  }
0x46: {  	v6 =	vld [tilespmem:s21+$0x3D0];
	s1 =	sshll.u32 s1, $0x9;
	[tilespmem:s22+$0xFFFFFC10] =	vst v4;
	s0 =	sand.u32 $0xFFFFFC00, s0  }
0x47: {  	v5 =	vld [tilespmem:s21+$0x3E0];
	[tilespmem:s22+$0xFFFFFC20] =	vst v7;
	s0 =	sor.u32 s1, s0  }
0x48: {  	[tilespmem:s22+$0xFFFFFC30] =	vst v8;
	v4 =	vld [tilespmem:s21+$0x400];
	s0 =	sshrl.u32 s0, $0x2  }
0x49: {  	[tilespmem:s22+$0xFFFFFC40] =	vst v9;
	v1 =	vld [tilespmem:s21+$0x410];
	s28 =	sadd.s32 s0, s24  }
0x4a: {  	[tilespmem:s28+$0x0] =	vst v3;
	v3 =	vld [tilespmem:s21+$0x3F0]  }
0x4b: {  	s31 =	simm.s32 $0x100;
	[tilespmem:s22+$0xFFFFFC50] =	vst v10;
	v2 =	vld [tilespmem:s21+$0x420];
	s1 =	simm.s32 $0x80  }
0x4c: {  	s29 =	sadd.s32 $0x80, s21;
	s30 =	smov.u32 s22;
	v7 =	vld [tilespmem:s21+$0xFFFFFFC0];
	[tilespmem:s22+$0xFFFFFC60] =	vst v11;
	s0 =	sand.u32 $0x300, s1  }
.LBB1_4:
0x4d: {  	p1 =	sne.s32 s31, $0x380;
	v8 =	vld [tilespmem:s29+$0xFFFFFFD0];
	s1 =	sand.u32 $0x80, s1;
	s0 =	sadd.s32 s0, s23;
	[tilespmem:s30+$0x0] =	vst v6  }
0x4e: {  	s0 =	sadd.s32 s1, s0;
	v6 =	vld [tilespmem:s29+$0x430];
	[tilespmem:s30+$0x10] =	vst v5;
	s1 =	smov.u32 s31  }
0x4f: {  	v5 =	vld.idx.msk [tilespmem:v0+s0+$0x400 ss:$0x1], $0xffff;
	[tilespmem:s30+$0x20] =	vst v3  }
0x50: {  	v3 =	vld [tilespmem:s29+$0xFFFFFFE0];
	[tilespmem:s30+$0x30] =	vst v4  }
0x51: {  	v4 =	vld [tilespmem:s29+$0xFFFFFFF0];
	[tilespmem:s30+$0xFFFFFBF0] =	vst v7  }
0x52: {  	v7 =	vld [tilespmem:s29+$0x0];
	[tilespmem:s30+$0x40] =	vst v1  }
0x53: {  	v1 =	vld [tilespmem:s29+$0x10];
	[tilespmem:s30+$0x50] =	vst v2;
	s30 =	sadd.s32 $0x800, s30  }
0x54: {  	s28 =	sadd.s32 $0x800, s28;
	v2 =	vld [tilespmem:s29+$0x20];
	[tilespmem:s30+$0x60] =	vst v6  }
0x55: {  	v9 =	vld [tilespmem:s29+$0x30];
	[tilespmem:s28+$0x0] =	vst v5  }
0x56: {  	[tilespmem:s30+$0xFFFFFC00] =	vst v8;
	v6 =	vld [tilespmem:s29+$0x3D0]  }
0x57: {  	[tilespmem:s30+$0xFFFFFC10] =	vst v3;
	v5 =	vld [tilespmem:s29+$0x3E0]  }
.Ltmp3:
0x58: {  	[tilespmem:s30+$0xFFFFFC20] =	vst v4;
	v3 =	vld [tilespmem:s29+$0x3F0];
	(pc) =	sbr.rel @p1 .LBB1_4-.Ltmp3, $4  }
0x59: {  	[tilespmem:s30+$0xFFFFFC30] =	vst v7;
	v4 =	vld [tilespmem:s29+$0x400]  }
0x5a: {  	[tilespmem:s30+$0xFFFFFC40] =	vst v1;
	v1 =	vld [tilespmem:s29+$0x410]  }
0x5b: {  	[tilespmem:s30+$0xFFFFFC50] =	vst v2;
	v2 =	vld [tilespmem:s29+$0x420]  }
0x5c: {  	s31 =	sadd.s32 $0x80, s31;
	s0 =	sand.u32 $0x300, s1;
	v7 =	vld [tilespmem:s29+$0xFFFFFFC0];
	[tilespmem:s30+$0xFFFFFC60] =	vst v9;
	s29 =	sadd.s32 $0x80, s29  }
0x5d: {  	[tilespmem:s30+$0x0] =	vst v6  }
0x5e: {  	[tilespmem:s30+$0x10] =	vst v5  }
0x5f: {  	v49 =	vld [tilespmem:s29+$0x430];
	[tilespmem:s30+$0x20] =	vst v3  }
0x60: {  	v50 =	vld [tilespmem:s29+$0xFFFFFFD0];
	[tilespmem:s30+$0x30] =	vst v4  }
0x61: {  	v51 =	vld [tilespmem:s29+$0xFFFFFFE0];
	[tilespmem:s30+$0x40] =	vst v1  }
0x62: {  	v52 =	vld [tilespmem:s29+$0xFFFFFFF0];
	[tilespmem:s30+$0x50] =	vst v2  }
0x63: {  	v53 =	vld [tilespmem:s29+$0x0];
	[tilespmem:s30+$0xFFFFFBF0] =	vst v7;
	s30 =	sadd.s32 $0x800, s30  }
0x64: {  	v54 =	vld [tilespmem:s29+$0x10];
	[tilespmem:s30+$0x60] =	vst v49  }
0x65: {  	v55 =	vld [tilespmem:s29+$0x20];
	[tilespmem:s30+$0xFFFFFC00] =	vst v50  }
0x66: {  	v56 =	vld [tilespmem:s29+$0x30];
	[tilespmem:s30+$0xFFFFFC10] =	vst v51  }
0x67: {  	v57 =	vld [tilespmem:s29+$0x3D0];
	[tilespmem:s30+$0xFFFFFC20] =	vst v52  }
0x68: {  	v58 =	vld [tilespmem:s29+$0x3E0];
	[tilespmem:s30+$0xFFFFFC30] =	vst v53  }
0x69: {  	v59 =	vld [tilespmem:s29+$0x3F0];
	[tilespmem:s30+$0xFFFFFC40] =	vst v54  }
0x6a: {  	v60 =	vld [tilespmem:s29+$0x400];
	[tilespmem:s30+$0xFFFFFC50] =	vst v55  }
0x6b: {  	v61 =	vld [tilespmem:s29+$0xFFFFFFC0];
	[tilespmem:s30+$0xFFFFFC60] =	vst v56  }
0x6c: {  	s1 =	sand.u32 $0x80, s1;
	s0 =	sadd.s32 s0, s23;
	v62 =	vld [tilespmem:s29+$0x410];
	[tilespmem:s30+$0x0] =	vst v57  }
0x6d: {  	v63 =	vld [tilespmem:s29+$0x420];
	s27 =	sadd.s32 $0x1, s27;
	s0 =	sadd.s32 s1, s0;
	[tilespmem:s30+$0x10] =	vst v58  }
0x6e: {  	p1 =	sne.s32 s27, $0x8;
	v0 =	vld.idx.msk [tilespmem:v0+s0+$0x400 ss:$0x1], $0xffff;
	[tilespmem:s30+$0x20] =	vst v59  }
.Ltmp4:
0x6f: {  	[tilespmem:s30+$0x30] =	vst v60;
	(pc) =	sbr.rel @p1 .LBB1_3-.Ltmp4, $4  }
0x70: {  	[tilespmem:s30+$0xFFFFFBF0] =	vst v61  }
0x71: {  	[tilespmem:s30+$0x40] =	vst v62  }
0x72: {  	s31 =	sadd.s32 $0x800, s28;
	s21 =	sadd.s32 $0x800, s21;
	[tilespmem:s30+$0x50] =	vst v63  }
0x73: {  	s26 =	sadd.s32 $0x80, s26;
	p0 =	por !p0, !p0;
	s22 =	sadd.s32 $0x80, s22;
	[tilespmem:s31+$0x0] =	vst v0  }
0x74: {  	p0 =	sgt.s32 s11, $0x1A;
	s0 =	smov.u32 s11;
	s1 =	sshra.s32 s11, $0x1F  }
0x75: {  	s30 =	ssub.s32 $0x0, s12;
	s21 =	smov.u32 s10;
	s22 =	sshra.s32 s10, $0x1F  }
0x76: {  	s31 =	sand.u32 $0x78, s10;
	s0 =	simm.s32 @!p0 $0x1A;
	s1 =	sand.u32 s1, s11  }
0x77: {  	s24 =	sshll.u32 s12, $0x7;
	s26 =	sshll.u32 s10, $0x3;
	s0 =	ssub.s32 s0, s1  }
0x78: {  	s27 =	sshll.u32 s11, $0x10;
	s28 =	sand.u32 $0xE000, s10;
	s1 =	sadd.s32 $0xFFFFFFE6, s0  }
0x79: {  	s22 =	sand.u32 s22, s10;
	s0 =	ssub.s32 $0x22, s0;
	p0 =	sgt.s32 s1, $0x7  }
0x7a: {  	s1 =	smin.u32 s12, s30;
	s0 =	simm.s32 @p0 $0x0;
	p0 =	sgt.s32 s10, $0xFF00  }
0x7b: {  	s21 =	simm.s32 @!p0 $0xFF00;
	p0 =	sgt.s32 s1, $0x7;
	s1 =	ssub.s32 $0x8, s1  }
0x7c: {  	s29 =	sand.u32 $0x7, s10;
	s21 =	ssub.s32 s21, s22;
	s1 =	simm.s32 @p0 $0x0  }
0x7d: {  	s23 =	sadd.s32 $0xFFFF0100, s21;
	s0 =	smul.u32 s1, s0;
	s1 =	sand.u32 $0x380, s24  }
0x7e: {  	s21 =	ssub.s32 $0x10000, s21;
	p0 =	sgt.s32 s23, $0xFF;
	s23 =	sand.u32 $0xFC00, s26  }
.Ltmp5:
0x7f: {  	s1 =	sor.u32 s1, s31;
	s21 =	simm.s32 @p0 $0x0;
	(pc) =	sbr.rel .LBB1_7-.Ltmp5, $4  }
0x80: {  	s1 =	sor.u32 s23, s1;
	s0 =	smul.u32 s21, s0;
	s21 =	sadd.s32 s3, s27  }
0x81: {  	s30 =	sshll.u32 s29, $0x12;
	s1 =	sshrl.u32 s1, $0x3;
	s21 =	sadd.s32 s28, s21  }
0x82: {  	s31 =	sor.u32 $0x800, s30;
	s0 =	sand.u32 $0x3FFFFFFF, s0;
	s1 =	sadd.s32 s1, s21  }
0x83: {  	[hbm4b:s1+s31] =	stream.strided.scatter [tilespmem:s20], [sflag:$0x2], s0, s8, s31, $0x38;
	[tilespmem:$0x10000] =	vst v63  }
.LBB1_8:
0x84: {  	_ =	sfence.sel $0x180000  }
0x85: {  	s0 =	simm.s32 $0x1;
	[bflag:$0x0] =	sbarrier.arrive $0xFFFF  }
0x86: {  	s30 =	simm.s32 $0x2;
	[sflag:s0] =	ssyncpa.u1 $0x1  }
0x87: {  	[sflag:s30] =	ssyncpa.u1 $0x1  }
0x88: {  	_ =	strace $0x90000050  }
0x89: {  	s31 =	stileid.u32;
	[bflag:$0x2] =	sbarrier.arrive $0xFFFF  }
0x8a: {  	p0 =	sne.s32 s31, $0x0;
	s0 =	rddreg [dreg:$0x2]  }
0x8b: {  	s0 =	sadd.s32 @!p0 $0x100000, s0  }
0x8c: {  	[sflag:s0] =	ssyncadd.tile.s32 @!p0 $0x1;
	_ =	shalt  }
.Lfunc_end1:
_tile_overlayer_lowered:
.L_overlay_start_2:
0x8d: {  	(tag) =	ssettag $0x2  }
0x8e: {  	s0 =	rddreg [dreg:$0x0];
	s2 =	stileid.u32  }
0x8f: {  	s1 =	rddreg [dreg:$0x1];
	p0 =	sne.s32 s2, $0x0  }
0x90: {  	s3 =	rddreg [dreg:$0x2];
	[bflag:$0x3] =	sbarrier.arrive $0xFFFF;
	s2 =	simm.s32 @!p0 $0x1C01  }
0x91: {  	[timem:s3], [sflag:s2] =	dma.local @!p0 [hbm:s0], s1  }
0x92: {  	s0 =	simm.s32 @!p0 $0x1  }
0x93: {  	_ =	swait.ge @!p0 [sflag:s0], s1  }
0x94: {  	s1 =	ssub.s32 @!p0 $0x0, s1;
	[sflag:s0] =	ssyncset.done @!p0 $0x0  }
0x95: {  	[sflag:s0] =	ssyncadd.s32 @!p0 s1  }
0x96: {  	[bflag:$0x3] =	sbarrier.arrive $0xFFFF  }
0x97: {  	_ =	shalt  }

</sc_bundles>
